<compile_context>
chip_gen: v7x
topology: tpu7x:2x2x1
jax: 0.10.2.dev20260603
libtpu: 0.0.44.dev20260713+nightly
codegen_flags: <defaults>
</compile_context>

<pallas_src>
import functools
import math

import jax
import jax.numpy as jnp
from jax import lax
from jax.experimental import pallas as pl
from jax.experimental.pallas import tpu as pltpu
from jax.experimental.pallas import tpu_sc as plsc

_NW = 32
_L = 16

_AC = 512

_EB = 25600


def _tc_edges(e1d, edge_table):
    ev_, edim = edge_table.shape
    n_edges = e1d.size
    blk = _EB
    nblk = (n_edges + blk - 1) // blk

    def body(e_ref, et_ref, out_ref):
        ev = e_ref[...].reshape(1, blk)
        onehot = (lax.broadcasted_iota(jnp.int32, (ev_, 1), 0)
                  == ev).astype(jnp.float32)
        out_ref[...] = jax.lax.dot_general(
            et_ref[...], onehot, (((0,), (0,)), ((), ())),
            preferred_element_type=jnp.float32,
            precision=lax.Precision.HIGHEST)

    return pl.pallas_call(
        body,
        grid=(nblk,),
        in_specs=[
            pl.BlockSpec((blk,), lambda i: (i,)),
            pl.BlockSpec((ev_, edim), lambda i: (0, 0)),
        ],
        out_specs=pl.BlockSpec((edim, blk), lambda i: (0, i)),
        out_shape=jax.ShapeDtypeStruct((edim, n_edges), jnp.float32),
    )(e1d, edge_table)


def _expand_chunk(idx_ref, table_ref, rows_ref, nrows, ncols):
    iota = lax.broadcasted_iota(jnp.int32, (_L,), 0)
    mask = ncols - 1
    grp = 4

    def gbody(g, carry):
        ev = idx_ref[pl.ds(g * _L, _L)]
        fbase = (g * _L + iota) * ncols
        for c0 in range(0, ncols, grp):
            colvs = [lax.bitwise_and(c0 + dc + iota, mask)
                     for dc in range(grp)]
            vals = [plsc.load_gather(table_ref, [ev, colv])
                    for colv in colvs]
            for colv, v in zip(colvs, vals):
                plsc.store_scatter(rows_ref, [fbase + colv], v)
        return carry

    lax.fori_loop(0, nrows // _L, gbody, 0)


def _sc_atoms(a, atom_table):
    n_nodes = a.shape[0]
    av, adim = atom_table.shape
    a_chunks_per_w = (n_nodes + _AC * _NW - 1) // (_AC * _NW)
    mesh = plsc.VectorSubcoreMesh(core_axis_name="c", subcore_axis_name="s")

    @functools.partial(
        pl.kernel,
        out_type=jax.ShapeDtypeStruct((n_nodes * adim,), jnp.float32),
        mesh=mesh,
        compiler_params=pltpu.CompilerParams(
            use_tc_tiling_on_sc=False, needs_layout_passes=False),
        scratch_types=[
            pltpu.VMEM((av, adim), jnp.float32),
            pltpu.VMEM((_AC,), jnp.int32),
            pltpu.VMEM((2, _AC * adim), jnp.float32),
            pltpu.SemaphoreType.DMA((2,)),
        ],
    )
    def k(a_hbm, at_hbm, a_out, at_v, aidx_v, arows_v, sem_a):
        wid = lax.axis_index("s") * 2 + lax.axis_index("c")
        pltpu.sync_copy(at_hbm, at_v)

        def abody(j, carry):
            buf = lax.rem(j, 2)
            chunk = wid * a_chunks_per_w + j
            base = pl.multiple_of(
                jnp.minimum(chunk * _AC, n_nodes - _AC), 8)

            @pl.when(j > 1)
            def _():
                pltpu.make_async_copy(
                    arows_v.at[buf],
                    a_out.at[pl.ds(base * adim, _AC * adim)],
                    sem_a.at[buf]).wait()

            pltpu.sync_copy(a_hbm.at[pl.ds(base, _AC)], aidx_v)
            _expand_chunk(aidx_v, at_v, arows_v.at[buf], _AC, adim)
            pltpu.async_copy(arows_v.at[buf],
                             a_out.at[pl.ds(base * adim, _AC * adim)],
                             sem_a.at[buf])
            return base

        lax.fori_loop(0, a_chunks_per_w, abody, 0)
        for j in (a_chunks_per_w - 2, a_chunks_per_w - 1):
            chunk = wid * a_chunks_per_w + j
            base = pl.multiple_of(
                jnp.minimum(chunk * _AC, n_nodes - _AC), 8)
            pltpu.make_async_copy(
                arows_v.at[j % 2],
                a_out.at[pl.ds(base * adim, _AC * adim)],
                sem_a.at[j % 2]).wait()

    return k(a, atom_table)


def _tc_cond(t_col, batch2d, node_count_table, W_t, b_row):
    num_graphs = t_col.shape[0]
    ncv, ncd = node_count_table.shape
    tdim = W_t.shape[0]
    half = tdim // 2
    nblk, blk = batch2d.shape

    def body(t_ref, batch_ref, nct_ref, wt_ref, bt_ref, out_ref):
        gid_col = lax.broadcasted_iota(jnp.int32, (num_graphs, 1), 0)

        def cbody(i, acc):
            row = batch_ref[pl.ds(i, 1), :]
            eq = (row == gid_col).astype(jnp.float32)
            return acc + jnp.sum(eq, axis=1, keepdims=True)

        counts = lax.fori_loop(
            0, nblk, cbody, jnp.zeros((num_graphs, 1), jnp.float32))
        n_idx = jnp.clip(counts.astype(jnp.int32), 0, ncv - 1)
        onehot = (n_idx == lax.broadcasted_iota(
            jnp.int32, (1, ncv), 1)).astype(jnp.float32)
        n_embed = jnp.dot(onehot, nct_ref[...],
                          preferred_element_type=jnp.float32,
                          precision=lax.Precision.HIGHEST)

        freqs = jnp.exp(
            (-math.log(10000.0) / half)
            * lax.broadcasted_iota(jnp.int32, (1, half), 1).astype(jnp.float32))
        args = t_ref[...] * freqs
        temb = jnp.concatenate([jnp.sin(args), jnp.cos(args)], axis=-1)
        t_embed = jnp.dot(temb, wt_ref[...],
                          preferred_element_type=jnp.float32) + bt_ref[...]

        out_ref[:, :tdim] = t_embed
        out_ref[:, tdim:] = n_embed

    return pl.pallas_call(
        body,
        out_shape=jax.ShapeDtypeStruct((num_graphs, tdim + ncd), jnp.float32),
    )(t_col, batch2d, node_count_table, W_t, b_row)


def kernel(a, e, edge_index, t, batch, atom_table, edge_table,
           node_count_table, W_t, b_t):
    del edge_index
    eT = _tc_edges(e, edge_table)
    e_embed = eT.T
    a2 = _sc_atoms(a, atom_table)
    a_embed = a2.reshape(a.shape[0], atom_table.shape[1])
    cond = _tc_cond(
        t.reshape(-1, 1),
        batch.reshape(25, -1),
        node_count_table,
        W_t,
        b_t.reshape(1, -1),
    )
    return a_embed, e_embed, cond

# --- scband reference (transcript-rebuilt; emitter-appended) ---
"""Pipeline reference for scband-di-tembedding-19533511262259 (READ-ONLY COPY).

The authoritative reference and input builder live on the scoring server;
editing this copy changes nothing except your own understanding.
"""

import jax, jax.numpy as jnp
import numpy as np
import math

N_NODES = 50000
N_EDGES = 1600000
NUM_GRAPHS = 256
ATOM_VOCAB = 128
EDGE_VOCAB = 8
ATOM_DIM = 64
EDGE_DIM = 32
TIME_DIM = 128
NODE_COUNT_VOCAB = 1024
NODE_COUNT_DIM = 128


def sinusoidal_embed(t, dim):
    half = dim // 2
    freqs = jnp.exp(-math.log(10000.0) * jnp.arange(half, dtype=jnp.float32) / half)
    args = t[:, None].astype(jnp.float32) * freqs[None, :]
    return jnp.concatenate([jnp.sin(args), jnp.cos(args)], axis=-1)


def setup_inputs(seed: int = 0) -> dict:
    key = jax.random.key(seed)
    ks = jax.random.split(key, 10)
    a = jax.random.randint(ks[0], (N_NODES,), 0, ATOM_VOCAB)
    e = jax.random.randint(ks[1], (N_EDGES,), 0, EDGE_VOCAB)
    edge_index = jax.random.randint(ks[2], (2, N_EDGES), 0, N_NODES)
    t = jax.random.uniform(ks[3], (NUM_GRAPHS,), dtype=jnp.float32)
    batch = jnp.sort(jax.random.randint(ks[4], (N_NODES,), 0, NUM_GRAPHS))
    atom_table = jax.random.normal(ks[5], (ATOM_VOCAB, ATOM_DIM), dtype=jnp.float32) * 0.02
    edge_table = jax.random.normal(ks[6], (EDGE_VOCAB, EDGE_DIM), dtype=jnp.float32) * 0.02
    node_count_table = jax.random.normal(ks[7], (NODE_COUNT_VOCAB, NODE_COUNT_DIM), dtype=jnp.float32) * 0.02
    W_t = jax.random.normal(ks[8], (TIME_DIM, TIME_DIM), dtype=jnp.float32) * (1.0 / math.sqrt(TIME_DIM))
    b_t = jnp.zeros((TIME_DIM,), dtype=jnp.float32)
    return {"a": a, "e": e, "edge_index": edge_index, "t": t, "batch": batch,
            "atom_table": atom_table, "edge_table": edge_table,
            "node_count_table": node_count_table, "W_t": W_t, "b_t": b_t}


def reference(a, e, edge_index, t, batch, atom_table, edge_table, node_count_table, W_t, b_t):
    # N_nodes = torch.bincount(batch)
    N_nodes = jnp.bincount(batch, length=NUM_GRAPHS)
    # atom / edge type embedding lookups (gathers)
    a_embed = jnp.take(atom_table, a, axis=0)
    e_embed = jnp.take(edge_table, e, axis=0)
    # time embedding: sinusoidal features + linear projection
    t_embed = sinusoidal_embed(t, TIME_DIM) @ W_t + b_t
    # node count embedding lookup
    n_idx = jnp.clip(N_nodes, 0, NODE_COUNT_VOCAB - 1)
    n_embed = jnp.take(node_count_table, n_idx, axis=0)
    cond = jnp.concatenate([t_embed, n_embed], axis=-1)
    return (a_embed, e_embed, cond)

if __name__ == "__main__":
    import jax
    _d = setup_inputs()
    print(jax.jit(kernel)(*tuple(_d.values())))

</pallas_src>

<mosaic_0001>
#map = affine_map<(d0, d1) -> (0)>
#map1 = affine_map<(d0, d1) -> (0, 0)>
module attributes {stable_mosaic.version = 14 : i64} {
  func.func @k(%arg0: i32, %arg1: i32, %arg2: memref<50000xi32, #tpu.memory_space<hbm>>, %arg3: memref<128x64xf32, #tpu.memory_space<hbm>>, %arg4: memref<3200000xf32, #tpu.memory_space<hbm>>, %arg5: memref<128x64xf32, #tpu.memory_space<vmem>>, %arg6: memref<512xi32, #tpu.memory_space<vmem>>, %arg7: memref<2x32768xf32, #tpu.memory_space<vmem>>, %arg8: memref<2x!tpu.dma_semaphore, #tpu.memory_space<semaphore_mem>>) attributes {dimension_semantics = [#tpu.dimension_semantics<core_parallel>, #tpu.dimension_semantics<subcore_parallel>], iteration_bounds = array<i64: 2, 16>, scalar_prefetch = 0 : i64, scratch_operands = 4 : i64, tpu.core_type = #tpu.core_type<sc_vector_subcore>, window_params = [{transform_indices = #map}, {transform_indices = #map1}, {transform_indices = #map}]} {
    %mul3A = arith.constant 2 : i32
    %mul3A_0 = arith.muli %arg1, %mul3A : i32
    %add3A = arith.addi %mul3A_0, %arg0 : i32
    "tpu.region"() ({
      %run_scoped3A = tpu.sem_alloc : memref<!tpu.dma_semaphore, #tpu.memory_space<semaphore_mem>>
      tpu.enqueue_dma source(%arg3 : memref<128x64xf32, #tpu.memory_space<hbm>>) target(%arg5 : memref<128x64xf32, #tpu.memory_space<vmem>>) target_semaphore(%run_scoped3A : memref<!tpu.dma_semaphore, #tpu.memory_space<semaphore_mem>>)
      tpu.wait_dma2 semaphore(%run_scoped3A : memref<!tpu.dma_semaphore, #tpu.memory_space<semaphore_mem>>) src(%arg3 : memref<128x64xf32, #tpu.memory_space<hbm>>) dst(%arg5 : memref<128x64xf32, #tpu.memory_space<vmem>>)
      tpu.yield
    }) : () -> ()
    %scan3A = arith.constant 0 : i32
    %scan3A_1 = arith.constant 0 : i32
    %scan3A_2 = arith.constant 4 : i32
    %scan3A_3 = arith.addi %scan3A_1, %scan3A_2 : i32
    %scan3A_4 = arith.constant 1 : i32
    %scan3A_5 = scf.for %scan3A_50 = %scan3A_1 to %scan3A_3 step %scan3A_4 iter_args(%scan3A_51 = %scan3A) -> (i32)  : i32 {
      %rem3A = arith.constant 2 : i32
      %rem3A_52 = arith.remsi %scan3A_50, %rem3A : i32
      %mul3A_53 = arith.constant 4 : i32
      %mul3A_54 = arith.muli %add3A, %mul3A_53 : i32
      %add3A_55 = arith.addi %mul3A_54, %scan3A_50 : i32
      %mul3A_56 = arith.constant 512 : i32
      %mul3A_57 = arith.muli %add3A_55, %mul3A_56 : i32
      %min3A_58 = arith.constant 49488 : i32
      %min3A_59 = arith.minsi %mul3A_57, %min3A_58 : i32
      %multiple_of3A_60 = tpu.assume_multiple %min3A_59, 8 : i32
      %gt3A = arith.constant 1 : i32
      %gt3A_61 = arith.cmpi sgt, %scan3A_50, %gt3A : i32
      %convert_element_type3A = arith.extui %gt3A_61 : i1 to i32
      %cond3A = arith.constant 0 : i32
      %cond3A_62 = arith.cmpi ne, %convert_element_type3A, %cond3A : i32
      scf.if %cond3A_62 {
        %mul3A_80 = arith.constant 64 : i32
        %mul3A_81 = arith.muli %multiple_of3A_60, %mul3A_80 : i32
        %dma_wait3A_82 = arith.constant 0 : i32
        %dma_wait3A_83 = tpu.memref_slice %arg7[%rem3A_52, %dma_wait3A_82] : memref<2x32768xf32, #tpu.memory_space<vmem>> -> memref<1x32768xf32, #tpu.memory_space<vmem>>
        %dma_wait3A_84 = tpu.memref_squeeze %dma_wait3A_83 : memref<1x32768xf32, #tpu.memory_space<vmem>> -> memref<32768xf32, #tpu.memory_space<vmem>>
        %dma_wait3A_85 = tpu.memref_slice %arg4[%mul3A_81] : memref<3200000xf32, #tpu.memory_space<hbm>> -> memref<32768xf32, #tpu.memory_space<hbm>>
        %dma_wait3A_86 = tpu.memref_slice %arg8[%rem3A_52] : memref<2x!tpu.dma_semaphore, #tpu.memory_space<semaphore_mem>> -> memref<1x!tpu.dma_semaphore, #tpu.memory_space<semaphore_mem>>
        %dma_wait3A_87 = tpu.memref_squeeze %dma_wait3A_86 : memref<1x!tpu.dma_semaphore, #tpu.memory_space<semaphore_mem>> -> memref<!tpu.dma_semaphore, #tpu.memory_space<semaphore_mem>>
        %dma_wait3A_88 = tpu.memref_slice %arg4[%mul3A_81] : memref<3200000xf32, #tpu.memory_space<hbm>> -> memref<32768xf32, #tpu.memory_space<hbm>>
        %dma_wait3A_89 = arith.constant 0 : i32
        %dma_wait3A_90 = tpu.memref_slice %arg7[%rem3A_52, %dma_wait3A_89] : memref<2x32768xf32, #tpu.memory_space<vmem>> -> memref<1x32768xf32, #tpu.memory_space<vmem>>
        %dma_wait3A_91 = tpu.memref_squeeze %dma_wait3A_90 : memref<1x32768xf32, #tpu.memory_space<vmem>> -> memref<32768xf32, #tpu.memory_space<vmem>>
        tpu.wait_dma2 semaphore(%dma_wait3A_87 : memref<!tpu.dma_semaphore, #tpu.memory_space<semaphore_mem>>) src(%dma_wait3A_91 : memref<32768xf32, #tpu.memory_space<vmem>>) dst(%dma_wait3A_88 : memref<32768xf32, #tpu.memory_space<hbm>>)
      } else {
      }
      "tpu.region"() ({
        %run_scoped3A = tpu.sem_alloc : memref<!tpu.dma_semaphore, #tpu.memory_space<semaphore_mem>>
        %dma_start3A_80 = tpu.memref_slice %arg2[%multiple_of3A_60] : memref<50000xi32, #tpu.memory_space<hbm>> -> memref<512xi32, #tpu.memory_space<hbm>>
        %dma_start3A_81 = tpu.memref_slice %arg2[%multiple_of3A_60] : memref<50000xi32, #tpu.memory_space<hbm>> -> memref<512xi32, #tpu.memory_space<hbm>>
        tpu.enqueue_dma source(%dma_start3A_81 : memref<512xi32, #tpu.memory_space<hbm>>) target(%arg6 : memref<512xi32, #tpu.memory_space<vmem>>) target_semaphore(%run_scoped3A : memref<!tpu.dma_semaphore, #tpu.memory_space<semaphore_mem>>)
        %dma_wait3A_82 = tpu.memref_slice %arg2[%multiple_of3A_60] : memref<50000xi32, #tpu.memory_space<hbm>> -> memref<512xi32, #tpu.memory_space<hbm>>
        %dma_wait3A_83 = tpu.memref_slice %arg2[%multiple_of3A_60] : memref<50000xi32, #tpu.memory_space<hbm>> -> memref<512xi32, #tpu.memory_space<hbm>>
        tpu.wait_dma2 semaphore(%run_scoped3A : memref<!tpu.dma_semaphore, #tpu.memory_space<semaphore_mem>>) src(%dma_wait3A_83 : memref<512xi32, #tpu.memory_space<hbm>>) dst(%arg6 : memref<512xi32, #tpu.memory_space<vmem>>)
        tpu.yield
      }) : () -> ()
      %iota3A = tpu.iota {dimensions = array<i32: 0>} : vector<16xi32>
      %scan3A_63 = arith.constant 0 : i32
      %scan3A_64 = arith.constant 0 : i32
      %scan3A_65 = arith.constant 32 : i32
      %scan3A_66 = arith.addi %scan3A_64, %scan3A_65 : i32
      %scan3A_67 = arith.constant 1 : i32
      scf.for %scan3A_80 = %scan3A_64 to %scan3A_66 step %scan3A_67  : i32 {
        %mul3A_81 = arith.constant 16 : i32
        %mul3A_82 = arith.muli %scan3A_80, %mul3A_81 : i32
        %get3A = arith.index_cast %mul3A_82 : i32 to index
        %get3A_83 = tpu.vector_load %arg6[%get3A] {strides = array<i32>} : memref<512xi32, #tpu.memory_space<vmem>>, vector<16xi32>,
        %mul3A_84 = arith.constant 16 : i32
        %mul3A_85 = arith.muli %scan3A_80, %mul3A_84 : i32
        %add3A_86 = vector.broadcast %mul3A_85 : i32 to vector<16xi32>
        %add3A_87 = arith.addi %add3A_86, %iota3A : vector<16xi32>
        %mul3A_88 = arith.constant 64 : i32
        %mul3A_89 = vector.broadcast %mul3A_88 : i32 to vector<16xi32>
        %mul3A_90 = arith.muli %add3A_87, %mul3A_89 : vector<16xi32>
        %add3A_91 = arith.constant 0 : i32
        %add3A_92 = vector.broadcast %add3A_91 : i32 to vector<16xi32>
        %add3A_93 = arith.addi %add3A_92, %iota3A : vector<16xi32>
        %and3A = arith.constant 63 : i32
        %and3A_94 = vector.broadcast %and3A : i32 to vector<16xi32>
        %and3A_95 = arith.andi %add3A_93, %and3A_94 : vector<16xi32>
        %add3A_96 = arith.constant 1 : i32
        %add3A_97 = vector.broadcast %add3A_96 : i32 to vector<16xi32>
        %add3A_98 = arith.addi %add3A_97, %iota3A : vector<16xi32>
        %and3A_99 = arith.constant 63 : i32
        %and3A_100 = vector.broadcast %and3A_99 : i32 to vector<16xi32>
        %and3A_101 = arith.andi %add3A_98, %and3A_100 : vector<16xi32>
        %add3A_102 = arith.constant 2 : i32
        %add3A_103 = vector.broadcast %add3A_102 : i32 to vector<16xi32>
        %add3A_104 = arith.addi %add3A_103, %iota3A : vector<16xi32>
        %and3A_105 = arith.constant 63 : i32
        %and3A_106 = vector.broadcast %and3A_105 : i32 to vector<16xi32>
        %and3A_107 = arith.andi %add3A_104, %and3A_106 : vector<16xi32>
        %add3A_108 = arith.constant 3 : i32
        %add3A_109 = vector.broadcast %add3A_108 : i32 to vector<16xi32>
        %add3A_110 = arith.addi %add3A_109, %iota3A : vector<16xi32>
        %and3A_111 = arith.constant 63 : i32
        %and3A_112 = vector.broadcast %and3A_111 : i32 to vector<16xi32>
        %and3A_113 = arith.andi %add3A_110, %and3A_112 : vector<16xi32>
        %gather3A = tpu.vector_load_idx %arg5[%get3A_83, %and3A_95] : memref<128x64xf32, #tpu.memory_space<vmem>>[vector<16xi32>, vector<16xi32>], vector<16xf32>,
        %gather3A_114 = tpu.vector_load_idx %arg5[%get3A_83, %and3A_101] : memref<128x64xf32, #tpu.memory_space<vmem>>[vector<16xi32>, vector<16xi32>], vector<16xf32>,
        %gather3A_115 = tpu.vector_load_idx %arg5[%get3A_83, %and3A_107] : memref<128x64xf32, #tpu.memory_space<vmem>>[vector<16xi32>, vector<16xi32>], vector<16xf32>,
        %gather3A_116 = tpu.vector_load_idx %arg5[%get3A_83, %and3A_113] : memref<128x64xf32, #tpu.memory_space<vmem>>[vector<16xi32>, vector<16xi32>], vector<16xf32>,
        %add3A_117 = arith.addi %mul3A_90, %and3A_95 : vector<16xi32>
        %scatter3A = arith.constant 0 : i32
        %scatter3A_118 = tpu.memref_slice %arg7[%rem3A_52, %scatter3A] : memref<2x32768xf32, #tpu.memory_space<vmem>> -> memref<1x32768xf32, #tpu.memory_space<vmem>>
        %scatter3A_119 = tpu.memref_squeeze %scatter3A_118 : memref<1x32768xf32, #tpu.memory_space<vmem>> -> memref<32768xf32, #tpu.memory_space<vmem>>
        tpu.vector_store_idx %scatter3A_119[%add3A_117], %gather3A : memref<32768xf32, #tpu.memory_space<vmem>>[vector<16xi32>], vector<16xf32>,
        %add3A_120 = arith.addi %mul3A_90, %and3A_101 : vector<16xi32>
        %scatter3A_121 = arith.constant 0 : i32
        %scatter3A_122 = tpu.memref_slice %arg7[%rem3A_52, %scatter3A_121] : memref<2x32768xf32, #tpu.memory_space<vmem>> -> memref<1x32768xf32, #tpu.memory_space<vmem>>
        %scatter3A_123 = tpu.memref_squeeze %scatter3A_122 : memref<1x32768xf32, #tpu.memory_space<vmem>> -> memref<32768xf32, #tpu.memory_space<vmem>>
        tpu.vector_store_idx %scatter3A_123[%add3A_120], %gather3A_114 : memref<32768xf32, #tpu.memory_space<vmem>>[vector<16xi32>], vector<16xf32>,
        %add3A_124 = arith.addi %mul3A_90, %and3A_107 : vector<16xi32>
        %scatter3A_125 = arith.constant 0 : i32
        %scatter3A_126 = tpu.memref_slice %arg7[%rem3A_52, %scatter3A_125] : memref<2x32768xf32, #tpu.memory_space<vmem>> -> memref<1x32768xf32, #tpu.memory_space<vmem>>
        %scatter3A_127 = tpu.memref_squeeze %scatter3A_126 : memref<1x32768xf32, #tpu.memory_space<vmem>> -> memref<32768xf32, #tpu.memory_space<vmem>>
        tpu.vector_store_idx %scatter3A_127[%add3A_124], %gather3A_115 : memref<32768xf32, #tpu.memory_space<vmem>>[vector<16xi32>], vector<16xf32>,
        %add3A_128 = arith.addi %mul3A_90, %and3A_113 : vector<16xi32>
        %scatter3A_129 = arith.constant 0 : i32
        %scatter3A_130 = tpu.memref_slice %arg7[%rem3A_52, %scatter3A_129] : memref<2x32768xf32, #tpu.memory_space<vmem>> -> memref<1x32768xf32, #tpu.memory_space<vmem>>
        %scatter3A_131 = tpu.memref_squeeze %scatter3A_130 : memref<1x32768xf32, #tpu.memory_space<vmem>> -> memref<32768xf32, #tpu.memory_space<vmem>>
        tpu.vector_store_idx %scatter3A_131[%add3A_128], %gather3A_116 : memref<32768xf32, #tpu.memory_space<vmem>>[vector<16xi32>], vector<16xf32>,
        %add3A_132 = arith.constant 4 : i32
        %add3A_133 = vector.broadcast %add3A_132 : i32 to vector<16xi32>
        %add3A_134 = arith.addi %add3A_133, %iota3A : vector<16xi32>
        %and3A_135 = arith.constant 63 : i32
        %and3A_136 = vector.broadcast %and3A_135 : i32 to vector<16xi32>
        %and3A_137 = arith.andi %add3A_134, %and3A_136 : vector<16xi32>
        %add3A_138 = arith.constant 5 : i32
        %add3A_139 = vector.broadcast %add3A_138 : i32 to vector<16xi32>
        %add3A_140 = arith.addi %add3A_139, %iota3A : vector<16xi32>
        %and3A_141 = arith.constant 63 : i32
        %and3A_142 = vector.broadcast %and3A_141 : i32 to vector<16xi32>
        %and3A_143 = arith.andi %add3A_140, %and3A_142 : vector<16xi32>
        %add3A_144 = arith.constant 6 : i32
        %add3A_145 = vector.broadcast %add3A_144 : i32 to vector<16xi32>
        %add3A_146 = arith.addi %add3A_145, %iota3A : vector<16xi32>
        %and3A_147 = arith.constant 63 : i32
        %and3A_148 = vector.broadcast %and3A_147 : i32 to vector<16xi32>
        %and3A_149 = arith.andi %add3A_146, %and3A_148 : vector<16xi32>
        %add3A_150 = arith.constant 7 : i32
        %add3A_151 = vector.broadcast %add3A_150 : i32 to vector<16xi32>
        %add3A_152 = arith.addi %add3A_151, %iota3A : vector<16xi32>
        %and3A_153 = arith.constant 63 : i32
        %and3A_154 = vector.broadcast %and3A_153 : i32 to vector<16xi32>
        %and3A_155 = arith.andi %add3A_152, %and3A_154 : vector<16xi32>
        %gather3A_156 = tpu.vector_load_idx %arg5[%get3A_83, %and3A_137] : memref<128x64xf32, #tpu.memory_space<vmem>>[vector<16xi32>, vector<16xi32>], vector<16xf32>,
        %gather3A_157 = tpu.vector_load_idx %arg5[%get3A_83, %and3A_143] : memref<128x64xf32, #tpu.memory_space<vmem>>[vector<16xi32>, vector<16xi32>], vector<16xf32>,
        %gather3A_158 = tpu.vector_load_idx %arg5[%get3A_83, %and3A_149] : memref<128x64xf32, #tpu.memory_space<vmem>>[vector<16xi32>, vector<16xi32>], vector<16xf32>,
        %gather3A_159 = tpu.vector_load_idx %arg5[%get3A_83, %and3A_155] : memref<128x64xf32, #tpu.memory_space<vmem>>[vector<16xi32>, vector<16xi32>], vector<16xf32>,
        %add3A_160 = arith.addi %mul3A_90, %and3A_137 : vector<16xi32>
        %scatter3A_161 = arith.constant 0 : i32
        %scatter3A_162 = tpu.memref_slice %arg7[%rem3A_52, %scatter3A_161] : memref<2x32768xf32, #tpu.memory_space<vmem>> -> memref<1x32768xf32, #tpu.memory_space<vmem>>
        %scatter3A_163 = tpu.memref_squeeze %scatter3A_162 : memref<1x32768xf32, #tpu.memory_space<vmem>> -> memref<32768xf32, #tpu.memory_space<vmem>>
        tpu.vector_store_idx %scatter3A_163[%add3A_160], %gather3A_156 : memref<32768xf32, #tpu.memory_space<vmem>>[vector<16xi32>], vector<16xf32>,
        %add3A_164 = arith.addi %mul3A_90, %and3A_143 : vector<16xi32>
        %scatter3A_165 = arith.constant 0 : i32
        %scatter3A_166 = tpu.memref_slice %arg7[%rem3A_52, %scatter3A_165] : memref<2x32768xf32, #tpu.memory_space<vmem>> -> memref<1x32768xf32, #tpu.memory_space<vmem>>
        %scatter3A_167 = tpu.memref_squeeze %scatter3A_166 : memref<1x32768xf32, #tpu.memory_space<vmem>> -> memref<32768xf32, #tpu.memory_space<vmem>>
        tpu.vector_store_idx %scatter3A_167[%add3A_164], %gather3A_157 : memref<32768xf32, #tpu.memory_space<vmem>>[vector<16xi32>], vector<16xf32>,
        %add3A_168 = arith.addi %mul3A_90, %and3A_149 : vector<16xi32>
        %scatter3A_169 = arith.constant 0 : i32
        %scatter3A_170 = tpu.memref_slice %arg7[%rem3A_52, %scatter3A_169] : memref<2x32768xf32, #tpu.memory_space<vmem>> -> memref<1x32768xf32, #tpu.memory_space<vmem>>
        %scatter3A_171 = tpu.memref_squeeze %scatter3A_170 : memref<1x32768xf32, #tpu.memory_space<vmem>> -> memref<32768xf32, #tpu.memory_space<vmem>>
        tpu.vector_store_idx %scatter3A_171[%add3A_168], %gather3A_158 : memref<32768xf32, #tpu.memory_space<vmem>>[vector<16xi32>], vector<16xf32>,
        %add3A_172 = arith.addi %mul3A_90, %and3A_155 : vector<16xi32>
        %scatter3A_173 = arith.constant 0 : i32
        %scatter3A_174 = tpu.memref_slice %arg7[%rem3A_52, %scatter3A_173] : memref<2x32768xf32, #tpu.memory_space<vmem>> -> memref<1x32768xf32, #tpu.memory_space<vmem>>
        %scatter3A_175 = tpu.memref_squeeze %scatter3A_174 : memref<1x32768xf32, #tpu.memory_space<vmem>> -> memref<32768xf32, #tpu.memory_space<vmem>>
        tpu.vector_store_idx %scatter3A_175[%add3A_172], %gather3A_159 : memref<32768xf32, #tpu.memory_space<vmem>>[vector<16xi32>], vector<16xf32>,
        %add3A_176 = arith.constant 8 : i32
        %add3A_177 = vector.broadcast %add3A_176 : i32 to vector<16xi32>
        %add3A_178 = arith.addi %add3A_177, %iota3A : vector<16xi32>
        %and3A_179 = arith.constant 63 : i32
        %and3A_180 = vector.broadcast %and3A_179 : i32 to vector<16xi32>
        %and3A_181 = arith.andi %add3A_178, %and3A_180 : vector<16xi32>
        %add3A_182 = arith.constant 9 : i32
        %add3A_183 = vector.broadcast %add3A_182 : i32 to vector<16xi32>
        %add3A_184 = arith.addi %add3A_183, %iota3A : vector<16xi32>
        %and3A_185 = arith.constant 63 : i32
        %and3A_186 = vector.broadcast %and3A_185 : i32 to vector<16xi32>
        %and3A_187 = arith.andi %add3A_184, %and3A_186 : vector<16xi32>
        %add3A_188 = arith.constant 10 : i32
        %add3A_189 = vector.broadcast %add3A_188 : i32 to vector<16xi32>
        %add3A_190 = arith.addi %add3A_189, %iota3A : vector<16xi32>
        %and3A_191 = arith.constant 63 : i32
        %and3A_192 = vector.broadcast %and3A_191 : i32 to vector<16xi32>
        %and3A_193 = arith.andi %add3A_190, %and3A_192 : vector<16xi32>
        %add3A_194 = arith.constant 11 : i32
        %add3A_195 = vector.broadcast %add3A_194 : i32 to vector<16xi32>
        %add3A_196 = arith.addi %add3A_195, %iota3A : vector<16xi32>
        %and3A_197 = arith.constant 63 : i32
        %and3A_198 = vector.broadcast %and3A_197 : i32 to vector<16xi32>
        %and3A_199 = arith.andi %add3A_196, %and3A_198 : vector<16xi32>
        %gather3A_200 = tpu.vector_load_idx %arg5[%get3A_83, %and3A_181] : memref<128x64xf32, #tpu.memory_space<vmem>>[vector<16xi32>, vector<16xi32>], vector<16xf32>,
        %gather3A_201 = tpu.vector_load_idx %arg5[%get3A_83, %and3A_187] : memref<128x64xf32, #tpu.memory_space<vmem>>[vector<16xi32>, vector<16xi32>], vector<16xf32>,
        %gather3A_202 = tpu.vector_load_idx %arg5[%get3A_83, %and3A_193] : memref<128x64xf32, #tpu.memory_space<vmem>>[vector<16xi32>, vector<16xi32>], vector<16xf32>,
        %gather3A_203 = tpu.vector_load_idx %arg5[%get3A_83, %and3A_199] : memref<128x64xf32, #tpu.memory_space<vmem>>[vector<16xi32>, vector<16xi32>], vector<16xf32>,
        %add3A_204 = arith.addi %mul3A_90, %and3A_181 : vector<16xi32>
        %scatter3A_205 = arith.constant 0 : i32
        %scatter3A_206 = tpu.memref_slice %arg7[%rem3A_52, %scatter3A_205] : memref<2x32768xf32, #tpu.memory_space<vmem>> -> memref<1x32768xf32, #tpu.memory_space<vmem>>
        %scatter3A_207 = tpu.memref_squeeze %scatter3A_206 : memref<1x32768xf32, #tpu.memory_space<vmem>> -> memref<32768xf32, #tpu.memory_space<vmem>>
        tpu.vector_store_idx %scatter3A_207[%add3A_204], %gather3A_200 : memref<32768xf32, #tpu.memory_space<vmem>>[vector<16xi32>], vector<16xf32>,
        %add3A_208 = arith.addi %mul3A_90, %and3A_187 : vector<16xi32>
        %scatter3A_209 = arith.constant 0 : i32
        %scatter3A_210 = tpu.memref_slice %arg7[%rem3A_52, %scatter3A_209] : memref<2x32768xf32, #tpu.memory_space<vmem>> -> memref<1x32768xf32, #tpu.memory_space<vmem>>
        %scatter3A_211 = tpu.memref_squeeze %scatter3A_210 : memref<1x32768xf32, #tpu.memory_space<vmem>> -> memref<32768xf32, #tpu.memory_space<vmem>>
        tpu.vector_store_idx %scatter3A_211[%add3A_208], %gather3A_201 : memref<32768xf32, #tpu.memory_space<vmem>>[vector<16xi32>], vector<16xf32>,
        %add3A_212 = arith.addi %mul3A_90, %and3A_193 : vector<16xi32>
        %scatter3A_213 = arith.constant 0 : i32
        %scatter3A_214 = tpu.memref_slice %arg7[%rem3A_52, %scatter3A_213] : memref<2x32768xf32, #tpu.memory_space<vmem>> -> memref<1x32768xf32, #tpu.memory_space<vmem>>
        %scatter3A_215 = tpu.memref_squeeze %scatter3A_214 : memref<1x32768xf32, #tpu.memory_space<vmem>> -> memref<32768xf32, #tpu.memory_space<vmem>>
        tpu.vector_store_idx %scatter3A_215[%add3A_212], %gather3A_202 : memref<32768xf32, #tpu.memory_space<vmem>>[vector<16xi32>], vector<16xf32>,
        %add3A_216 = arith.addi %mul3A_90, %and3A_199 : vector<16xi32>
        %scatter3A_217 = arith.constant 0 : i32
        %scatter3A_218 = tpu.memref_slice %arg7[%rem3A_52, %scatter3A_217] : memref<2x32768xf32, #tpu.memory_space<vmem>> -> memref<1x32768xf32, #tpu.memory_space<vmem>>
        %scatter3A_219 = tpu.memref_squeeze %scatter3A_218 : memref<1x32768xf32, #tpu.memory_space<vmem>> -> memref<32768xf32, #tpu.memory_space<vmem>>
        tpu.vector_store_idx %scatter3A_219[%add3A_216], %gather3A_203 : memref<32768xf32, #tpu.memory_space<vmem>>[vector<16xi32>], vector<16xf32>,
        %add3A_220 = arith.constant 12 : i32
        %add3A_221 = vector.broadcast %add3A_220 : i32 to vector<16xi32>
        %add3A_222 = arith.addi %add3A_221, %iota3A : vector<16xi32>
        %and3A_223 = arith.constant 63 : i32
        %and3A_224 = vector.broadcast %and3A_223 : i32 to vector<16xi32>
        %and3A_225 = arith.andi %add3A_222, %and3A_224 : vector<16xi32>
        %add3A_226 = arith.constant 13 : i32
        %add3A_227 = vector.broadcast %add3A_226 : i32 to vector<16xi32>
        %add3A_228 = arith.addi %add3A_227, %iota3A : vector<16xi32>
        %and3A_229 = arith.constant 63 : i32
        %and3A_230 = vector.broadcast %and3A_229 : i32 to vector<16xi32>
        %and3A_231 = arith.andi %add3A_228, %and3A_230 : vector<16xi32>
        %add3A_232 = arith.constant 14 : i32
        %add3A_233 = vector.broadcast %add3A_232 : i32 to vector<16xi32>
        %add3A_234 = arith.addi %add3A_233, %iota3A : vector<16xi32>
        %and3A_235 = arith.constant 63 : i32
        %and3A_236 = vector.broadcast %and3A_235 : i32 to vector<16xi32>
        %and3A_237 = arith.andi %add3A_234, %and3A_236 : vector<16xi32>
        %add3A_238 = arith.constant 15 : i32
        %add3A_239 = vector.broadcast %add3A_238 : i32 to vector<16xi32>
        %add3A_240 = arith.addi %add3A_239, %iota3A : vector<16xi32>
        %and3A_241 = arith.constant 63 : i32
        %and3A_242 = vector.broadcast %and3A_241 : i32 to vector<16xi32>
        %and3A_243 = arith.andi %add3A_240, %and3A_242 : vector<16xi32>
        %gather3A_244 = tpu.vector_load_idx %arg5[%get3A_83, %and3A_225] : memref<128x64xf32, #tpu.memory_space<vmem>>[vector<16xi32>, vector<16xi32>], vector<16xf32>,
        %gather3A_245 = tpu.vector_load_idx %arg5[%get3A_83, %and3A_231] : memref<128x64xf32, #tpu.memory_space<vmem>>[vector<16xi32>, vector<16xi32>], vector<16xf32>,
        %gather3A_246 = tpu.vector_load_idx %arg5[%get3A_83, %and3A_237] : memref<128x64xf32, #tpu.memory_space<vmem>>[vector<16xi32>, vector<16xi32>], vector<16xf32>,
        %gather3A_247 = tpu.vector_load_idx %arg5[%get3A_83, %and3A_243] : memref<128x64xf32, #tpu.memory_space<vmem>>[vector<16xi32>, vector<16xi32>], vector<16xf32>,
        %add3A_248 = arith.addi %mul3A_90, %and3A_225 : vector<16xi32>
        %scatter3A_249 = arith.constant 0 : i32
        %scatter3A_250 = tpu.memref_slice %arg7[%rem3A_52, %scatter3A_249] : memref<2x32768xf32, #tpu.memory_space<vmem>> -> memref<1x32768xf32, #tpu.memory_space<vmem>>
        %scatter3A_251 = tpu.memref_squeeze %scatter3A_250 : memref<1x32768xf32, #tpu.memory_space<vmem>> -> memref<32768xf32, #tpu.memory_space<vmem>>
        tpu.vector_store_idx %scatter3A_251[%add3A_248], %gather3A_244 : memref<32768xf32, #tpu.memory_space<vmem>>[vector<16xi32>], vector<16xf32>,
        %add3A_252 = arith.addi %mul3A_90, %and3A_231 : vector<16xi32>
        %scatter3A_253 = arith.constant 0 : i32
        %scatter3A_254 = tpu.memref_slice %arg7[%rem3A_52, %scatter3A_253] : memref<2x32768xf32, #tpu.memory_space<vmem>> -> memref<1x32768xf32, #tpu.memory_space<vmem>>
        %scatter3A_255 = tpu.memref_squeeze %scatter3A_254 : memref<1x32768xf32, #tpu.memory_space<vmem>> -> memref<32768xf32, #tpu.memory_space<vmem>>
        tpu.vector_store_idx %scatter3A_255[%add3A_252], %gather3A_245 : memref<32768xf32, #tpu.memory_space<vmem>>[vector<16xi32>], vector<16xf32>,
        %add3A_256 = arith.addi %mul3A_90, %and3A_237 : vector<16xi32>
        %scatter3A_257 = arith.constant 0 : i32
        %scatter3A_258 = tpu.memref_slice %arg7[%rem3A_52, %scatter3A_257] : memref<2x32768xf32, #tpu.memory_space<vmem>> -> memref<1x32768xf32, #tpu.memory_space<vmem>>
        %scatter3A_259 = tpu.memref_squeeze %scatter3A_258 : memref<1x32768xf32, #tpu.memory_space<vmem>> -> memref<32768xf32, #tpu.memory_space<vmem>>
        tpu.vector_store_idx %scatter3A_259[%add3A_256], %gather3A_246 : memref<32768xf32, #tpu.memory_space<vmem>>[vector<16xi32>], vector<16xf32>,
        %add3A_260 = arith.addi %mul3A_90, %and3A_243 : vector<16xi32>
        %scatter3A_261 = arith.constant 0 : i32
        %scatter3A_262 = tpu.memref_slice %arg7[%rem3A_52, %scatter3A_261] : memref<2x32768xf32, #tpu.memory_space<vmem>> -> memref<1x32768xf32, #tpu.memory_space<vmem>>
        %scatter3A_263 = tpu.memref_squeeze %scatter3A_262 : memref<1x32768xf32, #tpu.memory_space<vmem>> -> memref<32768xf32, #tpu.memory_space<vmem>>
        tpu.vector_store_idx %scatter3A_263[%add3A_260], %gather3A_247 : memref<32768xf32, #tpu.memory_space<vmem>>[vector<16xi32>], vector<16xf32>,
        %add3A_264 = arith.constant 16 : i32
        %add3A_265 = vector.broadcast %add3A_264 : i32 to vector<16xi32>
        %add3A_266 = arith.addi %add3A_265, %iota3A : vector<16xi32>
        %and3A_267 = arith.constant 63 : i32
        %and3A_268 = vector.broadcast %and3A_267 : i32 to vector<16xi32>
        %and3A_269 = arith.andi %add3A_266, %and3A_268 : vector<16xi32>
        %add3A_270 = arith.constant 17 : i32
        %add3A_271 = vector.broadcast %add3A_270 : i32 to vector<16xi32>
        %add3A_272 = arith.addi %add3A_271, %iota3A : vector<16xi32>
        %and3A_273 = arith.constant 63 : i32
        %and3A_274 = vector.broadcast %and3A_273 : i32 to vector<16xi32>
        %and3A_275 = arith.andi %add3A_272, %and3A_274 : vector<16xi32>
        %add3A_276 = arith.constant 18 : i32
        %add3A_277 = vector.broadcast %add3A_276 : i32 to vector<16xi32>
        %add3A_278 = arith.addi %add3A_277, %iota3A : vector<16xi32>
        %and3A_279 = arith.constant 63 : i32
        %and3A_280 = vector.broadcast %and3A_279 : i32 to vector<16xi32>
        %and3A_281 = arith.andi %add3A_278, %and3A_280 : vector<16xi32>
        %add3A_282 = arith.constant 19 : i32
        %add3A_283 = vector.broadcast %add3A_282 : i32 to vector<16xi32>
        %add3A_284 = arith.addi %add3A_283, %iota3A : vector<16xi32>
        %and3A_285 = arith.constant 63 : i32
        %and3A_286 = vector.broadcast %and3A_285 : i32 to vector<16xi32>
        %and3A_287 = arith.andi %add3A_284, %and3A_286 : vector<16xi32>
        %gather3A_288 = tpu.vector_load_idx %arg5[%get3A_83, %and3A_269] : memref<128x64xf32, #tpu.memory_space<vmem>>[vector<16xi32>, vector<16xi32>], vector<16xf32>,
        %gather3A_289 = tpu.vector_load_idx %arg5[%get3A_83, %and3A_275] : memref<128x64xf32, #tpu.memory_space<vmem>>[vector<16xi32>, vector<16xi32>], vector<16xf32>,
        %gather3A_290 = tpu.vector_load_idx %arg5[%get3A_83, %and3A_281] : memref<128x64xf32, #tpu.memory_space<vmem>>[vector<16xi32>, vector<16xi32>], vector<16xf32>,
        %gather3A_291 = tpu.vector_load_idx %arg5[%get3A_83, %and3A_287] : memref<128x64xf32, #tpu.memory_space<vmem>>[vector<16xi32>, vector<16xi32>], vector<16xf32>,
        %add3A_292 = arith.addi %mul3A_90, %and3A_269 : vector<16xi32>
        %scatter3A_293 = arith.constant 0 : i32
        %scatter3A_294 = tpu.memref_slice %arg7[%rem3A_52, %scatter3A_293] : memref<2x32768xf32, #tpu.memory_space<vmem>> -> memref<1x32768xf32, #tpu.memory_space<vmem>>
        %scatter3A_295 = tpu.memref_squeeze %scatter3A_294 : memref<1x32768xf32, #tpu.memory_space<vmem>> -> memref<32768xf32, #tpu.memory_space<vmem>>
        tpu.vector_store_idx %scatter3A_295[%add3A_292], %gather3A_288 : memref<32768xf32, #tpu.memory_space<vmem>>[vector<16xi32>], vector<16xf32>,
        %add3A_296 = arith.addi %mul3A_90, %and3A_275 : vector<16xi32>
        %scatter3A_297 = arith.constant 0 : i32
        %scatter3A_298 = tpu.memref_slice %arg7[%rem3A_52, %scatter3A_297] : memref<2x32768xf32, #tpu.memory_space<vmem>> -> memref<1x32768xf32, #tpu.memory_space<vmem>>
        %scatter3A_299 = tpu.memref_squeeze %scatter3A_298 : memref<1x32768xf32, #tpu.memory_space<vmem>> -> memref<32768xf32, #tpu.memory_space<vmem>>
        tpu.vector_store_idx %scatter3A_299[%add3A_296], %gather3A_289 : memref<32768xf32, #tpu.memory_space<vmem>>[vector<16xi32>], vector<16xf32>,
        %add3A_300 = arith.addi %mul3A_90, %and3A_281 : vector<16xi32>
        %scatter3A_301 = arith.constant 0 : i32
        %scatter3A_302 = tpu.memref_slice %arg7[%rem3A_52, %scatter3A_301] : memref<2x32768xf32, #tpu.memory_space<vmem>> -> memref<1x32768xf32, #tpu.memory_space<vmem>>
        %scatter3A_303 = tpu.memref_squeeze %scatter3A_302 : memref<1x32768xf32, #tpu.memory_space<vmem>> -> memref<32768xf32, #tpu.memory_space<vmem>>
        tpu.vector_store_idx %scatter3A_303[%add3A_300], %gather3A_290 : memref<32768xf32, #tpu.memory_space<vmem>>[vector<16xi32>], vector<16xf32>,
        %add3A_304 = arith.addi %mul3A_90, %and3A_287 : vector<16xi32>
        %scatter3A_305 = arith.constant 0 : i32
        %scatter3A_306 = tpu.memref_slice %arg7[%rem3A_52, %scatter3A_305] : memref<2x32768xf32, #tpu.memory_space<vmem>> -> memref<1x32768xf32, #tpu.memory_space<vmem>>
        %scatter3A_307 = tpu.memref_squeeze %scatter3A_306 : memref<1x32768xf32, #tpu.memory_space<vmem>> -> memref<32768xf32, #tpu.memory_space<vmem>>
        tpu.vector_store_idx %scatter3A_307[%add3A_304], %gather3A_291 : memref<32768xf32, #tpu.memory_space<vmem>>[vector<16xi32>], vector<16xf32>,
        %add3A_308 = arith.constant 20 : i32
        %add3A_309 = vector.broadcast %add3A_308 : i32 to vector<16xi32>
        %add3A_310 = arith.addi %add3A_309, %iota3A : vector<16xi32>
        %and3A_311 = arith.constant 63 : i32
        %and3A_312 = vector.broadcast %and3A_311 : i32 to vector<16xi32>
        %and3A_313 = arith.andi %add3A_310, %and3A_312 : vector<16xi32>
        %add3A_314 = arith.constant 21 : i32
        %add3A_315 = vector.broadcast %add3A_314 : i32 to vector<16xi32>
        %add3A_316 = arith.addi %add3A_315, %iota3A : vector<16xi32>
        %and3A_317 = arith.constant 63 : i32
        %and3A_318 = vector.broadcast %and3A_317 : i32 to vector<16xi32>
        %and3A_319 = arith.andi %add3A_316, %and3A_318 : vector<16xi32>
        %add3A_320 = arith.constant 22 : i32
        %add3A_321 = vector.broadcast %add3A_320 : i32 to vector<16xi32>
        %add3A_322 = arith.addi %add3A_321, %iota3A : vector<16xi32>
        %and3A_323 = arith.constant 63 : i32
        %and3A_324 = vector.broadcast %and3A_323 : i32 to vector<16xi32>
        %and3A_325 = arith.andi %add3A_322, %and3A_324 : vector<16xi32>
        %add3A_326 = arith.constant 23 : i32
        %add3A_327 = vector.broadcast %add3A_326 : i32 to vector<16xi32>
        %add3A_328 = arith.addi %add3A_327, %iota3A : vector<16xi32>
        %and3A_329 = arith.constant 63 : i32
        %and3A_330 = vector.broadcast %and3A_329 : i32 to vector<16xi32>
        %and3A_331 = arith.andi %add3A_328, %and3A_330 : vector<16xi32>
        %gather3A_332 = tpu.vector_load_idx %arg5[%get3A_83, %and3A_313] : memref<128x64xf32, #tpu.memory_space<vmem>>[vector<16xi32>, vector<16xi32>], vector<16xf32>,
        %gather3A_333 = tpu.vector_load_idx %arg5[%get3A_83, %and3A_319] : memref<128x64xf32, #tpu.memory_space<vmem>>[vector<16xi32>, vector<16xi32>], vector<16xf32>,
        %gather3A_334 = tpu.vector_load_idx %arg5[%get3A_83, %and3A_325] : memref<128x64xf32, #tpu.memory_space<vmem>>[vector<16xi32>, vector<16xi32>], vector<16xf32>,
        %gather3A_335 = tpu.vector_load_idx %arg5[%get3A_83, %and3A_331] : memref<128x64xf32, #tpu.memory_space<vmem>>[vector<16xi32>, vector<16xi32>], vector<16xf32>,
        %add3A_336 = arith.addi %mul3A_90, %and3A_313 : vector<16xi32>
        %scatter3A_337 = arith.constant 0 : i32
        %scatter3A_338 = tpu.memref_slice %arg7[%rem3A_52, %scatter3A_337] : memref<2x32768xf32, #tpu.memory_space<vmem>> -> memref<1x32768xf32, #tpu.memory_space<vmem>>
        %scatter3A_339 = tpu.memref_squeeze %scatter3A_338 : memref<1x32768xf32, #tpu.memory_space<vmem>> -> memref<32768xf32, #tpu.memory_space<vmem>>
        tpu.vector_store_idx %scatter3A_339[%add3A_336], %gather3A_332 : memref<32768xf32, #tpu.memory_space<vmem>>[vector<16xi32>], vector<16xf32>,
        %add3A_340 = arith.addi %mul3A_90, %and3A_319 : vector<16xi32>
        %scatter3A_341 = arith.constant 0 : i32
        %scatter3A_342 = tpu.memref_slice %arg7[%rem3A_52, %scatter3A_341] : memref<2x32768xf32, #tpu.memory_space<vmem>> -> memref<1x32768xf32, #tpu.memory_space<vmem>>
        %scatter3A_343 = tpu.memref_squeeze %scatter3A_342 : memref<1x32768xf32, #tpu.memory_space<vmem>> -> memref<32768xf32, #tpu.memory_space<vmem>>
        tpu.vector_store_idx %scatter3A_343[%add3A_340], %gather3A_333 : memref<32768xf32, #tpu.memory_space<vmem>>[vector<16xi32>], vector<16xf32>,
        %add3A_344 = arith.addi %mul3A_90, %and3A_325 : vector<16xi32>
        %scatter3A_345 = arith.constant 0 : i32
        %scatter3A_346 = tpu.memref_slice %arg7[%rem3A_52, %scatter3A_345] : memref<2x32768xf32, #tpu.memory_space<vmem>> -> memref<1x32768xf32, #tpu.memory_space<vmem>>
        %scatter3A_347 = tpu.memref_squeeze %scatter3A_346 : memref<1x32768xf32, #tpu.memory_space<vmem>> -> memref<32768xf32, #tpu.memory_space<vmem>>
        tpu.vector_store_idx %scatter3A_347[%add3A_344], %gather3A_334 : memref<32768xf32, #tpu.memory_space<vmem>>[vector<16xi32>], vector<16xf32>,
        %add3A_348 = arith.addi %mul3A_90, %and3A_331 : vector<16xi32>
        %scatter3A_349 = arith.constant 0 : i32
        %scatter3A_350 = tpu.memref_slice %arg7[%rem3A_52, %scatter3A_349] : memref<2x32768xf32, #tpu.memory_space<vmem>> -> memref<1x32768xf32, #tpu.memory_space<vmem>>
        %scatter3A_351 = tpu.memref_squeeze %scatter3A_350 : memref<1x32768xf32, #tpu.memory_space<vmem>> -> memref<32768xf32, #tpu.memory_space<vmem>>
        tpu.vector_store_idx %scatter3A_351[%add3A_348], %gather3A_335 : memref<32768xf32, #tpu.memory_space<vmem>>[vector<16xi32>], vector<16xf32>,
        %add3A_352 = arith.constant 24 : i32
        %add3A_353 = vector.broadcast %add3A_352 : i32 to vector<16xi32>
        %add3A_354 = arith.addi %add3A_353, %iota3A : vector<16xi32>
        %and3A_355 = arith.constant 63 : i32
        %and3A_356 = vector.broadcast %and3A_355 : i32 to vector<16xi32>
        %and3A_357 = arith.andi %add3A_354, %and3A_356 : vector<16xi32>
        %add3A_358 = arith.constant 25 : i32
        %add3A_359 = vector.broadcast %add3A_358 : i32 to vector<16xi32>
        %add3A_360 = arith.addi %add3A_359, %iota3A : vector<16xi32>
        %and3A_361 = arith.constant 63 : i32
        %and3A_362 = vector.broadcast %and3A_361 : i32 to vector<16xi32>
        %and3A_363 = arith.andi %add3A_360, %and3A_362 : vector<16xi32>
        %add3A_364 = arith.constant 26 : i32
        %add3A_365 = vector.broadcast %add3A_364 : i32 to vector<16xi32>
        %add3A_366 = arith.addi %add3A_365, %iota3A : vector<16xi32>
        %and3A_367 = arith.constant 63 : i32
        %and3A_368 = vector.broadcast %and3A_367 : i32 to vector<16xi32>
        %and3A_369 = arith.andi %add3A_366, %and3A_368 : vector<16xi32>
        %add3A_370 = arith.constant 27 : i32
        %add3A_371 = vector.broadcast %add3A_370 : i32 to vector<16xi32>
        %add3A_372 = arith.addi %add3A_371, %iota3A : vector<16xi32>
        %and3A_373 = arith.constant 63 : i32
        %and3A_374 = vector.broadcast %and3A_373 : i32 to vector<16xi32>
        %and3A_375 = arith.andi %add3A_372, %and3A_374 : vector<16xi32>
        %gather3A_376 = tpu.vector_load_idx %arg5[%get3A_83, %and3A_357] : memref<128x64xf32, #tpu.memory_space<vmem>>[vector<16xi32>, vector<16xi32>], vector<16xf32>,
        %gather3A_377 = tpu.vector_load_idx %arg5[%get3A_83, %and3A_363] : memref<128x64xf32, #tpu.memory_space<vmem>>[vector<16xi32>, vector<16xi32>], vector<16xf32>,
        %gather3A_378 = tpu.vector_load_idx %arg5[%get3A_83, %and3A_369] : memref<128x64xf32, #tpu.memory_space<vmem>>[vector<16xi32>, vector<16xi32>], vector<16xf32>,
        %gather3A_379 = tpu.vector_load_idx %arg5[%get3A_83, %and3A_375] : memref<128x64xf32, #tpu.memory_space<vmem>>[vector<16xi32>, vector<16xi32>], vector<16xf32>,
        %add3A_380 = arith.addi %mul3A_90, %and3A_357 : vector<16xi32>
        %scatter3A_381 = arith.constant 0 : i32
        %scatter3A_382 = tpu.memref_slice %arg7[%rem3A_52, %scatter3A_381] : memref<2x32768xf32, #tpu.memory_space<vmem>> -> memref<1x32768xf32, #tpu.memory_space<vmem>>
        %scatter3A_383 = tpu.memref_squeeze %scatter3A_382 : memref<1x32768xf32, #tpu.memory_space<vmem>> -> memref<32768xf32, #tpu.memory_space<vmem>>
        tpu.vector_store_idx %scatter3A_383[%add3A_380], %gather3A_376 : memref<32768xf32, #tpu.memory_space<vmem>>[vector<16xi32>], vector<16xf32>,
        %add3A_384 = arith.addi %mul3A_90, %and3A_363 : vector<16xi32>
        %scatter3A_385 = arith.constant 0 : i32
        %scatter3A_386 = tpu.memref_slice %arg7[%rem3A_52, %scatter3A_385] : memref<2x32768xf32, #tpu.memory_space<vmem>> -> memref<1x32768xf32, #tpu.memory_space<vmem>>
        %scatter3A_387 = tpu.memref_squeeze %scatter3A_386 : memref<1x32768xf32, #tpu.memory_space<vmem>> -> memref<32768xf32, #tpu.memory_space<vmem>>
        tpu.vector_store_idx %scatter3A_387[%add3A_384], %gather3A_377 : memref<32768xf32, #tpu.memory_space<vmem>>[vector<16xi32>], vector<16xf32>,
        %add3A_388 = arith.addi %mul3A_90, %and3A_369 : vector<16xi32>
        %scatter3A_389 = arith.constant 0 : i32
        %scatter3A_390 = tpu.memref_slice %arg7[%rem3A_52, %scatter3A_389] : memref<2x32768xf32, #tpu.memory_space<vmem>> -> memref<1x32768xf32, #tpu.memory_space<vmem>>
        %scatter3A_391 = tpu.memref_squeeze %scatter3A_390 : memref<1x32768xf32, #tpu.memory_space<vmem>> -> memref<32768xf32, #tpu.memory_space<vmem>>
        tpu.vector_store_idx %scatter3A_391[%add3A_388], %gather3A_378 : memref<32768xf32, #tpu.memory_space<vmem>>[vector<16xi32>], vector<16xf32>,
        %add3A_392 = arith.addi %mul3A_90, %and3A_375 : vector<16xi32>
        %scatter3A_393 = arith.constant 0 : i32
        %scatter3A_394 = tpu.memref_slice %arg7[%rem3A_52, %scatter3A_393] : memref<2x32768xf32, #tpu.memory_space<vmem>> -> memref<1x32768xf32, #tpu.memory_space<vmem>>
        %scatter3A_395 = tpu.memref_squeeze %scatter3A_394 : memref<1x32768xf32, #tpu.memory_space<vmem>> -> memref<32768xf32, #tpu.memory_space<vmem>>
        tpu.vector_store_idx %scatter3A_395[%add3A_392], %gather3A_379 : memref<32768xf32, #tpu.memory_space<vmem>>[vector<16xi32>], vector<16xf32>,
        %add3A_396 = arith.constant 28 : i32
        %add3A_397 = vector.broadcast %add3A_396 : i32 to vector<16xi32>
        %add3A_398 = arith.addi %add3A_397, %iota3A : vector<16xi32>
        %and3A_399 = arith.constant 63 : i32
        %and3A_400 = vector.broadcast %and3A_399 : i32 to vector<16xi32>
        %and3A_401 = arith.andi %add3A_398, %and3A_400 : vector<16xi32>
        %add3A_402 = arith.constant 29 : i32
        %add3A_403 = vector.broadcast %add3A_402 : i32 to vector<16xi32>
        %add3A_404 = arith.addi %add3A_403, %iota3A : vector<16xi32>
        %and3A_405 = arith.constant 63 : i32
        %and3A_406 = vector.broadcast %and3A_405 : i32 to vector<16xi32>
        %and3A_407 = arith.andi %add3A_404, %and3A_406 : vector<16xi32>
        %add3A_408 = arith.constant 30 : i32
        %add3A_409 = vector.broadcast %add3A_408 : i32 to vector<16xi32>
        %add3A_410 = arith.addi %add3A_409, %iota3A : vector<16xi32>
        %and3A_411 = arith.constant 63 : i32
        %and3A_412 = vector.broadcast %and3A_411 : i32 to vector<16xi32>
        %and3A_413 = arith.andi %add3A_410, %and3A_412 : vector<16xi32>
        %add3A_414 = arith.constant 31 : i32
        %add3A_415 = vector.broadcast %add3A_414 : i32 to vector<16xi32>
        %add3A_416 = arith.addi %add3A_415, %iota3A : vector<16xi32>
        %and3A_417 = arith.constant 63 : i32
        %and3A_418 = vector.broadcast %and3A_417 : i32 to vector<16xi32>
        %and3A_419 = arith.andi %add3A_416, %and3A_418 : vector<16xi32>
        %gather3A_420 = tpu.vector_load_idx %arg5[%get3A_83, %and3A_401] : memref<128x64xf32, #tpu.memory_space<vmem>>[vector<16xi32>, vector<16xi32>], vector<16xf32>,
        %gather3A_421 = tpu.vector_load_idx %arg5[%get3A_83, %and3A_407] : memref<128x64xf32, #tpu.memory_space<vmem>>[vector<16xi32>, vector<16xi32>], vector<16xf32>,
        %gather3A_422 = tpu.vector_load_idx %arg5[%get3A_83, %and3A_413] : memref<128x64xf32, #tpu.memory_space<vmem>>[vector<16xi32>, vector<16xi32>], vector<16xf32>,
        %gather3A_423 = tpu.vector_load_idx %arg5[%get3A_83, %and3A_419] : memref<128x64xf32, #tpu.memory_space<vmem>>[vector<16xi32>, vector<16xi32>], vector<16xf32>,
        %add3A_424 = arith.addi %mul3A_90, %and3A_401 : vector<16xi32>
        %scatter3A_425 = arith.constant 0 : i32
        %scatter3A_426 = tpu.memref_slice %arg7[%rem3A_52, %scatter3A_425] : memref<2x32768xf32, #tpu.memory_space<vmem>> -> memref<1x32768xf32, #tpu.memory_space<vmem>>
        %scatter3A_427 = tpu.memref_squeeze %scatter3A_426 : memref<1x32768xf32, #tpu.memory_space<vmem>> -> memref<32768xf32, #tpu.memory_space<vmem>>
        tpu.vector_store_idx %scatter3A_427[%add3A_424], %gather3A_420 : memref<32768xf32, #tpu.memory_space<vmem>>[vector<16xi32>], vector<16xf32>,
        %add3A_428 = arith.addi %mul3A_90, %and3A_407 : vector<16xi32>
        %scatter3A_429 = arith.constant 0 : i32
        %scatter3A_430 = tpu.memref_slice %arg7[%rem3A_52, %scatter3A_429] : memref<2x32768xf32, #tpu.memory_space<vmem>> -> memref<1x32768xf32, #tpu.memory_space<vmem>>
        %scatter3A_431 = tpu.memref_squeeze %scatter3A_430 : memref<1x32768xf32, #tpu.memory_space<vmem>> -> memref<32768xf32, #tpu.memory_space<vmem>>
        tpu.vector_store_idx %scatter3A_431[%add3A_428], %gather3A_421 : memref<32768xf32, #tpu.memory_space<vmem>>[vector<16xi32>], vector<16xf32>,
        %add3A_432 = arith.addi %mul3A_90, %and3A_413 : vector<16xi32>
        %scatter3A_433 = arith.constant 0 : i32
        %scatter3A_434 = tpu.memref_slice %arg7[%rem3A_52, %scatter3A_433] : memref<2x32768xf32, #tpu.memory_space<vmem>> -> memref<1x32768xf32, #tpu.memory_space<vmem>>
        %scatter3A_435 = tpu.memref_squeeze %scatter3A_434 : memref<1x32768xf32, #tpu.memory_space<vmem>> -> memref<32768xf32, #tpu.memory_space<vmem>>
        tpu.vector_store_idx %scatter3A_435[%add3A_432], %gather3A_422 : memref<32768xf32, #tpu.memory_space<vmem>>[vector<16xi32>], vector<16xf32>,
        %add3A_436 = arith.addi %mul3A_90, %and3A_419 : vector<16xi32>
        %scatter3A_437 = arith.constant 0 : i32
        %scatter3A_438 = tpu.memref_slice %arg7[%rem3A_52, %scatter3A_437] : memref<2x32768xf32, #tpu.memory_space<vmem>> -> memref<1x32768xf32, #tpu.memory_space<vmem>>
        %scatter3A_439 = tpu.memref_squeeze %scatter3A_438 : memref<1x32768xf32, #tpu.memory_space<vmem>> -> memref<32768xf32, #tpu.memory_space<vmem>>
        tpu.vector_store_idx %scatter3A_439[%add3A_436], %gather3A_423 : memref<32768xf32, #tpu.memory_space<vmem>>[vector<16xi32>], vector<16xf32>,
        %add3A_440 = arith.constant 32 : i32
        %add3A_441 = vector.broadcast %add3A_440 : i32 to vector<16xi32>
        %add3A_442 = arith.addi %add3A_441, %iota3A : vector<16xi32>
        %and3A_443 = arith.constant 63 : i32
        %and3A_444 = vector.broadcast %and3A_443 : i32 to vector<16xi32>
        %and3A_445 = arith.andi %add3A_442, %and3A_444 : vector<16xi32>
        %add3A_446 = arith.constant 33 : i32
        %add3A_447 = vector.broadcast %add3A_446 : i32 to vector<16xi32>
        %add3A_448 = arith.addi %add3A_447, %iota3A : vector<16xi32>
        %and3A_449 = arith.constant 63 : i32
        %and3A_450 = vector.broadcast %and3A_449 : i32 to vector<16xi32>
        %and3A_451 = arith.andi %add3A_448, %and3A_450 : vector<16xi32>
        %add3A_452 = arith.constant 34 : i32
        %add3A_453 = vector.broadcast %add3A_452 : i32 to vector<16xi32>
        %add3A_454 = arith.addi %add3A_453, %iota3A : vector<16xi32>
        %and3A_455 = arith.constant 63 : i32
        %and3A_456 = vector.broadcast %and3A_455 : i32 to vector<16xi32>
        %and3A_457 = arith.andi %add3A_454, %and3A_456 : vector<16xi32>
        %add3A_458 = arith.constant 35 : i32
        %add3A_459 = vector.broadcast %add3A_458 : i32 to vector<16xi32>
        %add3A_460 = arith.addi %add3A_459, %iota3A : vector<16xi32>
        %and3A_461 = arith.constant 63 : i32
        %and3A_462 = vector.broadcast %and3A_461 : i32 to vector<16xi32>
        %and3A_463 = arith.andi %add3A_460, %and3A_462 : vector<16xi32>
        %gather3A_464 = tpu.vector_load_idx %arg5[%get3A_83, %and3A_445] : memref<128x64xf32, #tpu.memory_space<vmem>>[vector<16xi32>, vector<16xi32>], vector<16xf32>,
        %gather3A_465 = tpu.vector_load_idx %arg5[%get3A_83, %and3A_451] : memref<128x64xf32, #tpu.memory_space<vmem>>[vector<16xi32>, vector<16xi32>], vector<16xf32>,
        %gather3A_466 = tpu.vector_load_idx %arg5[%get3A_83, %and3A_457] : memref<128x64xf32, #tpu.memory_space<vmem>>[vector<16xi32>, vector<16xi32>], vector<16xf32>,
        %gather3A_467 = tpu.vector_load_idx %arg5[%get3A_83, %and3A_463] : memref<128x64xf32, #tpu.memory_space<vmem>>[vector<16xi32>, vector<16xi32>], vector<16xf32>,
        %add3A_468 = arith.addi %mul3A_90, %and3A_445 : vector<16xi32>
        %scatter3A_469 = arith.constant 0 : i32
        %scatter3A_470 = tpu.memref_slice %arg7[%rem3A_52, %scatter3A_469] : memref<2x32768xf32, #tpu.memory_space<vmem>> -> memref<1x32768xf32, #tpu.memory_space<vmem>>
        %scatter3A_471 = tpu.memref_squeeze %scatter3A_470 : memref<1x32768xf32, #tpu.memory_space<vmem>> -> memref<32768xf32, #tpu.memory_space<vmem>>
        tpu.vector_store_idx %scatter3A_471[%add3A_468], %gather3A_464 : memref<32768xf32, #tpu.memory_space<vmem>>[vector<16xi32>], vector<16xf32>,
        %add3A_472 = arith.addi %mul3A_90, %and3A_451 : vector<16xi32>
        %scatter3A_473 = arith.constant 0 : i32
        %scatter3A_474 = tpu.memref_slice %arg7[%rem3A_52, %scatter3A_473] : memref<2x32768xf32, #tpu.memory_space<vmem>> -> memref<1x32768xf32, #tpu.memory_space<vmem>>
        %scatter3A_475 = tpu.memref_squeeze %scatter3A_474 : memref<1x32768xf32, #tpu.memory_space<vmem>> -> memref<32768xf32, #tpu.memory_space<vmem>>
        tpu.vector_store_idx %scatter3A_475[%add3A_472], %gather3A_465 : memref<32768xf32, #tpu.memory_space<vmem>>[vector<16xi32>], vector<16xf32>,
        %add3A_476 = arith.addi %mul3A_90, %and3A_457 : vector<16xi32>
        %scatter3A_477 = arith.constant 0 : i32
        %scatter3A_478 = tpu.memref_slice %arg7[%rem3A_52, %scatter3A_477] : memref<2x32768xf32, #tpu.memory_space<vmem>> -> memref<1x32768xf32, #tpu.memory_space<vmem>>
        %scatter3A_479 = tpu.memref_squeeze %scatter3A_478 : memref<1x32768xf32, #tpu.memory_space<vmem>> -> memref<32768xf32, #tpu.memory_space<vmem>>
        tpu.vector_store_idx %scatter3A_479[%add3A_476], %gather3A_466 : memref<32768xf32, #tpu.memory_space<vmem>>[vector<16xi32>], vector<16xf32>,
        %add3A_480 = arith.addi %mul3A_90, %and3A_463 : vector<16xi32>
        %scatter3A_481 = arith.constant 0 : i32
        %scatter3A_482 = tpu.memref_slice %arg7[%rem3A_52, %scatter3A_481] : memref<2x32768xf32, #tpu.memory_space<vmem>> -> memref<1x32768xf32, #tpu.memory_space<vmem>>
        %scatter3A_483 = tpu.memref_squeeze %scatter3A_482 : memref<1x32768xf32, #tpu.memory_space<vmem>> -> memref<32768xf32, #tpu.memory_space<vmem>>
        tpu.vector_store_idx %scatter3A_483[%add3A_480], %gather3A_467 : memref<32768xf32, #tpu.memory_space<vmem>>[vector<16xi32>], vector<16xf32>,
        %add3A_484 = arith.constant 36 : i32
        %add3A_485 = vector.broadcast %add3A_484 : i32 to vector<16xi32>
        %add3A_486 = arith.addi %add3A_485, %iota3A : vector<16xi32>
        %and3A_487 = arith.constant 63 : i32
        %and3A_488 = vector.broadcast %and3A_487 : i32 to vector<16xi32>
        %and3A_489 = arith.andi %add3A_486, %and3A_488 : vector<16xi32>
        %add3A_490 = arith.constant 37 : i32
        %add3A_491 = vector.broadcast %add3A_490 : i32 to vector<16xi32>
        %add3A_492 = arith.addi %add3A_491, %iota3A : vector<16xi32>
        %and3A_493 = arith.constant 63 : i32
        %and3A_494 = vector.broadcast %and3A_493 : i32 to vector<16xi32>
        %and3A_495 = arith.andi %add3A_492, %and3A_494 : vector<16xi32>
        %add3A_496 = arith.constant 38 : i32
        %add3A_497 = vector.broadcast %add3A_496 : i32 to vector<16xi32>
        %add3A_498 = arith.addi %add3A_497, %iota3A : vector<16xi32>
        %and3A_499 = arith.constant 63 : i32
        %and3A_500 = vector.broadcast %and3A_499 : i32 to vector<16xi32>
        %and3A_501 = arith.andi %add3A_498, %and3A_500 : vector<16xi32>
        %add3A_502 = arith.constant 39 : i32
        %add3A_503 = vector.broadcast %add3A_502 : i32 to vector<16xi32>
        %add3A_504 = arith.addi %add3A_503, %iota3A : vector<16xi32>
        %and3A_505 = arith.constant 63 : i32
        %and3A_506 = vector.broadcast %and3A_505 : i32 to vector<16xi32>
        %and3A_507 = arith.andi %add3A_504, %and3A_506 : vector<16xi32>
        %gather3A_508 = tpu.vector_load_idx %arg5[%get3A_83, %and3A_489] : memref<128x64xf32, #tpu.memory_space<vmem>>[vector<16xi32>, vector<16xi32>], vector<16xf32>,
        %gather3A_509 = tpu.vector_load_idx %arg5[%get3A_83, %and3A_495] : memref<128x64xf32, #tpu.memory_space<vmem>>[vector<16xi32>, vector<16xi32>], vector<16xf32>,
        %gather3A_510 = tpu.vector_load_idx %arg5[%get3A_83, %and3A_501] : memref<128x64xf32, #tpu.memory_space<vmem>>[vector<16xi32>, vector<16xi32>], vector<16xf32>,
        %gather3A_511 = tpu.vector_load_idx %arg5[%get3A_83, %and3A_507] : memref<128x64xf32, #tpu.memory_space<vmem>>[vector<16xi32>, vector<16xi32>], vector<16xf32>,
        %add3A_512 = arith.addi %mul3A_90, %and3A_489 : vector<16xi32>
        %scatter3A_513 = arith.constant 0 : i32
        %scatter3A_514 = tpu.memref_slice %arg7[%rem3A_52, %scatter3A_513] : memref<2x32768xf32, #tpu.memory_space<vmem>> -> memref<1x32768xf32, #tpu.memory_space<vmem>>
        %scatter3A_515 = tpu.memref_squeeze %scatter3A_514 : memref<1x32768xf32, #tpu.memory_space<vmem>> -> memref<32768xf32, #tpu.memory_space<vmem>>
        tpu.vector_store_idx %scatter3A_515[%add3A_512], %gather3A_508 : memref<32768xf32, #tpu.memory_space<vmem>>[vector<16xi32>], vector<16xf32>,
        %add3A_516 = arith.addi %mul3A_90, %and3A_495 : vector<16xi32>
        %scatter3A_517 = arith.constant 0 : i32
        %scatter3A_518 = tpu.memref_slice %arg7[%rem3A_52, %scatter3A_517] : memref<2x32768xf32, #tpu.memory_space<vmem>> -> memref<1x32768xf32, #tpu.memory_space<vmem>>
        %scatter3A_519 = tpu.memref_squeeze %scatter3A_518 : memref<1x32768xf32, #tpu.memory_space<vmem>> -> memref<32768xf32, #tpu.memory_space<vmem>>
        tpu.vector_store_idx %scatter3A_519[%add3A_516], %gather3A_509 : memref<32768xf32, #tpu.memory_space<vmem>>[vector<16xi32>], vector<16xf32>,
        %add3A_520 = arith.addi %mul3A_90, %and3A_501 : vector<16xi32>
        %scatter3A_521 = arith.constant 0 : i32
        %scatter3A_522 = tpu.memref_slice %arg7[%rem3A_52, %scatter3A_521] : memref<2x32768xf32, #tpu.memory_space<vmem>> -> memref<1x32768xf32, #tpu.memory_space<vmem>>
        %scatter3A_523 = tpu.memref_squeeze %scatter3A_522 : memref<1x32768xf32, #tpu.memory_space<vmem>> -> memref<32768xf32, #tpu.memory_space<vmem>>
        tpu.vector_store_idx %scatter3A_523[%add3A_520], %gather3A_510 : memref<32768xf32, #tpu.memory_space<vmem>>[vector<16xi32>], vector<16xf32>,
        %add3A_524 = arith.addi %mul3A_90, %and3A_507 : vector<16xi32>
        %scatter3A_525 = arith.constant 0 : i32
        %scatter3A_526 = tpu.memref_slice %arg7[%rem3A_52, %scatter3A_525] : memref<2x32768xf32, #tpu.memory_space<vmem>> -> memref<1x32768xf32, #tpu.memory_space<vmem>>
        %scatter3A_527 = tpu.memref_squeeze %scatter3A_526 : memref<1x32768xf32, #tpu.memory_space<vmem>> -> memref<32768xf32, #tpu.memory_space<vmem>>
        tpu.vector_store_idx %scatter3A_527[%add3A_524], %gather3A_511 : memref<32768xf32, #tpu.memory_space<vmem>>[vector<16xi32>], vector<16xf32>,
        %add3A_528 = arith.constant 40 : i32
        %add3A_529 = vector.broadcast %add3A_528 : i32 to vector<16xi32>
        %add3A_530 = arith.addi %add3A_529, %iota3A : vector<16xi32>
        %and3A_531 = arith.constant 63 : i32
        %and3A_532 = vector.broadcast %and3A_531 : i32 to vector<16xi32>
        %and3A_533 = arith.andi %add3A_530, %and3A_532 : vector<16xi32>
        %add3A_534 = arith.constant 41 : i32
        %add3A_535 = vector.broadcast %add3A_534 : i32 to vector<16xi32>
        %add3A_536 = arith.addi %add3A_535, %iota3A : vector<16xi32>
        %and3A_537 = arith.constant 63 : i32
        %and3A_538 = vector.broadcast %and3A_537 : i32 to vector<16xi32>
        %and3A_539 = arith.andi %add3A_536, %and3A_538 : vector<16xi32>
        %add3A_540 = arith.constant 42 : i32
        %add3A_541 = vector.broadcast %add3A_540 : i32 to vector<16xi32>
        %add3A_542 = arith.addi %add3A_541, %iota3A : vector<16xi32>
        %and3A_543 = arith.constant 63 : i32
        %and3A_544 = vector.broadcast %and3A_543 : i32 to vector<16xi32>
        %and3A_545 = arith.andi %add3A_542, %and3A_544 : vector<16xi32>
        %add3A_546 = arith.constant 43 : i32
        %add3A_547 = vector.broadcast %add3A_546 : i32 to vector<16xi32>
        %add3A_548 = arith.addi %add3A_547, %iota3A : vector<16xi32>
        %and3A_549 = arith.constant 63 : i32
        %and3A_550 = vector.broadcast %and3A_549 : i32 to vector<16xi32>
        %and3A_551 = arith.andi %add3A_548, %and3A_550 : vector<16xi32>
        %gather3A_552 = tpu.vector_load_idx %arg5[%get3A_83, %and3A_533] : memref<128x64xf32, #tpu.memory_space<vmem>>[vector<16xi32>, vector<16xi32>], vector<16xf32>,
        %gather3A_553 = tpu.vector_load_idx %arg5[%get3A_83, %and3A_539] : memref<128x64xf32, #tpu.memory_space<vmem>>[vector<16xi32>, vector<16xi32>], vector<16xf32>,
        %gather3A_554 = tpu.vector_load_idx %arg5[%get3A_83, %and3A_545] : memref<128x64xf32, #tpu.memory_space<vmem>>[vector<16xi32>, vector<16xi32>], vector<16xf32>,
        %gather3A_555 = tpu.vector_load_idx %arg5[%get3A_83, %and3A_551] : memref<128x64xf32, #tpu.memory_space<vmem>>[vector<16xi32>, vector<16xi32>], vector<16xf32>,
        %add3A_556 = arith.addi %mul3A_90, %and3A_533 : vector<16xi32>
        %scatter3A_557 = arith.constant 0 : i32
        %scatter3A_558 = tpu.memref_slice %arg7[%rem3A_52, %scatter3A_557] : memref<2x32768xf32, #tpu.memory_space<vmem>> -> memref<1x32768xf32, #tpu.memory_space<vmem>>
        %scatter3A_559 = tpu.memref_squeeze %scatter3A_558 : memref<1x32768xf32, #tpu.memory_space<vmem>> -> memref<32768xf32, #tpu.memory_space<vmem>>
        tpu.vector_store_idx %scatter3A_559[%add3A_556], %gather3A_552 : memref<32768xf32, #tpu.memory_space<vmem>>[vector<16xi32>], vector<16xf32>,
        %add3A_560 = arith.addi %mul3A_90, %and3A_539 : vector<16xi32>
        %scatter3A_561 = arith.constant 0 : i32
        %scatter3A_562 = tpu.memref_slice %arg7[%rem3A_52, %scatter3A_561] : memref<2x32768xf32, #tpu.memory_space<vmem>> -> memref<1x32768xf32, #tpu.memory_space<vmem>>
        %scatter3A_563 = tpu.memref_squeeze %scatter3A_562 : memref<1x32768xf32, #tpu.memory_space<vmem>> -> memref<32768xf32, #tpu.memory_space<vmem>>
        tpu.vector_store_idx %scatter3A_563[%add3A_560], %gather3A_553 : memref<32768xf32, #tpu.memory_space<vmem>>[vector<16xi32>], vector<16xf32>,
        %add3A_564 = arith.addi %mul3A_90, %and3A_545 : vector<16xi32>
        %scatter3A_565 = arith.constant 0 : i32
        %scatter3A_566 = tpu.memref_slice %arg7[%rem3A_52, %scatter3A_565] : memref<2x32768xf32, #tpu.memory_space<vmem>> -> memref<1x32768xf32, #tpu.memory_space<vmem>>
        %scatter3A_567 = tpu.memref_squeeze %scatter3A_566 : memref<1x32768xf32, #tpu.memory_space<vmem>> -> memref<32768xf32, #tpu.memory_space<vmem>>
        tpu.vector_store_idx %scatter3A_567[%add3A_564], %gather3A_554 : memref<32768xf32, #tpu.memory_space<vmem>>[vector<16xi32>], vector<16xf32>,
        %add3A_568 = arith.addi %mul3A_90, %and3A_551 : vector<16xi32>
        %scatter3A_569 = arith.constant 0 : i32
        %scatter3A_570 = tpu.memref_slice %arg7[%rem3A_52, %scatter3A_569] : memref<2x32768xf32, #tpu.memory_space<vmem>> -> memref<1x32768xf32, #tpu.memory_space<vmem>>
        %scatter3A_571 = tpu.memref_squeeze %scatter3A_570 : memref<1x32768xf32, #tpu.memory_space<vmem>> -> memref<32768xf32, #tpu.memory_space<vmem>>
        tpu.vector_store_idx %scatter3A_571[%add3A_568], %gather3A_555 : memref<32768xf32, #tpu.memory_space<vmem>>[vector<16xi32>], vector<16xf32>,
        %add3A_572 = arith.constant 44 : i32
        %add3A_573 = vector.broadcast %add3A_572 : i32 to vector<16xi32>
        %add3A_574 = arith.addi %add3A_573, %iota3A : vector<16xi32>
        %and3A_575 = arith.constant 63 : i32
        %and3A_576 = vector.broadcast %and3A_575 : i32 to vector<16xi32>
        %and3A_577 = arith.andi %add3A_574, %and3A_576 : vector<16xi32>
        %add3A_578 = arith.constant 45 : i32
        %add3A_579 = vector.broadcast %add3A_578 : i32 to vector<16xi32>
        %add3A_580 = arith.addi %add3A_579, %iota3A : vector<16xi32>
        %and3A_581 = arith.constant 63 : i32
        %and3A_582 = vector.broadcast %and3A_581 : i32 to vector<16xi32>
        %and3A_583 = arith.andi %add3A_580, %and3A_582 : vector<16xi32>
        %add3A_584 = arith.constant 46 : i32
        %add3A_585 = vector.broadcast %add3A_584 : i32 to vector<16xi32>
        %add3A_586 = arith.addi %add3A_585, %iota3A : vector<16xi32>
        %and3A_587 = arith.constant 63 : i32
        %and3A_588 = vector.broadcast %and3A_587 : i32 to vector<16xi32>
        %and3A_589 = arith.andi %add3A_586, %and3A_588 : vector<16xi32>
        %add3A_590 = arith.constant 47 : i32
        %add3A_591 = vector.broadcast %add3A_590 : i32 to vector<16xi32>
        %add3A_592 = arith.addi %add3A_591, %iota3A : vector<16xi32>
        %and3A_593 = arith.constant 63 : i32
        %and3A_594 = vector.broadcast %and3A_593 : i32 to vector<16xi32>
        %and3A_595 = arith.andi %add3A_592, %and3A_594 : vector<16xi32>
        %gather3A_596 = tpu.vector_load_idx %arg5[%get3A_83, %and3A_577] : memref<128x64xf32, #tpu.memory_space<vmem>>[vector<16xi32>, vector<16xi32>], vector<16xf32>,
        %gather3A_597 = tpu.vector_load_idx %arg5[%get3A_83, %and3A_583] : memref<128x64xf32, #tpu.memory_space<vmem>>[vector<16xi32>, vector<16xi32>], vector<16xf32>,
        %gather3A_598 = tpu.vector_load_idx %arg5[%get3A_83, %and3A_589] : memref<128x64xf32, #tpu.memory_space<vmem>>[vector<16xi32>, vector<16xi32>], vector<16xf32>,
        %gather3A_599 = tpu.vector_load_idx %arg5[%get3A_83, %and3A_595] : memref<128x64xf32, #tpu.memory_space<vmem>>[vector<16xi32>, vector<16xi32>], vector<16xf32>,
        %add3A_600 = arith.addi %mul3A_90, %and3A_577 : vector<16xi32>
        %scatter3A_601 = arith.constant 0 : i32
        %scatter3A_602 = tpu.memref_slice %arg7[%rem3A_52, %scatter3A_601] : memref<2x32768xf32, #tpu.memory_space<vmem>> -> memref<1x32768xf32, #tpu.memory_space<vmem>>
        %scatter3A_603 = tpu.memref_squeeze %scatter3A_602 : memref<1x32768xf32, #tpu.memory_space<vmem>> -> memref<32768xf32, #tpu.memory_space<vmem>>
        tpu.vector_store_idx %scatter3A_603[%add3A_600], %gather3A_596 : memref<32768xf32, #tpu.memory_space<vmem>>[vector<16xi32>], vector<16xf32>,
        %add3A_604 = arith.addi %mul3A_90, %and3A_583 : vector<16xi32>
        %scatter3A_605 = arith.constant 0 : i32
        %scatter3A_606 = tpu.memref_slice %arg7[%rem3A_52, %scatter3A_605] : memref<2x32768xf32, #tpu.memory_space<vmem>> -> memref<1x32768xf32, #tpu.memory_space<vmem>>
        %scatter3A_607 = tpu.memref_squeeze %scatter3A_606 : memref<1x32768xf32, #tpu.memory_space<vmem>> -> memref<32768xf32, #tpu.memory_space<vmem>>
        tpu.vector_store_idx %scatter3A_607[%add3A_604], %gather3A_597 : memref<32768xf32, #tpu.memory_space<vmem>>[vector<16xi32>], vector<16xf32>,
        %add3A_608 = arith.addi %mul3A_90, %and3A_589 : vector<16xi32>
        %scatter3A_609 = arith.constant 0 : i32
        %scatter3A_610 = tpu.memref_slice %arg7[%rem3A_52, %scatter3A_609] : memref<2x32768xf32, #tpu.memory_space<vmem>> -> memref<1x32768xf32, #tpu.memory_space<vmem>>
        %scatter3A_611 = tpu.memref_squeeze %scatter3A_610 : memref<1x32768xf32, #tpu.memory_space<vmem>> -> memref<32768xf32, #tpu.memory_space<vmem>>
        tpu.vector_store_idx %scatter3A_611[%add3A_608], %gather3A_598 : memref<32768xf32, #tpu.memory_space<vmem>>[vector<16xi32>], vector<16xf32>,
        %add3A_612 = arith.addi %mul3A_90, %and3A_595 : vector<16xi32>
        %scatter3A_613 = arith.constant 0 : i32
        %scatter3A_614 = tpu.memref_slice %arg7[%rem3A_52, %scatter3A_613] : memref<2x32768xf32, #tpu.memory_space<vmem>> -> memref<1x32768xf32, #tpu.memory_space<vmem>>
        %scatter3A_615 = tpu.memref_squeeze %scatter3A_614 : memref<1x32768xf32, #tpu.memory_space<vmem>> -> memref<32768xf32, #tpu.memory_space<vmem>>
        tpu.vector_store_idx %scatter3A_615[%add3A_612], %gather3A_599 : memref<32768xf32, #tpu.memory_space<vmem>>[vector<16xi32>], vector<16xf32>,
        %add3A_616 = arith.constant 48 : i32
        %add3A_617 = vector.broadcast %add3A_616 : i32 to vector<16xi32>
        %add3A_618 = arith.addi %add3A_617, %iota3A : vector<16xi32>
        %and3A_619 = arith.constant 63 : i32
        %and3A_620 = vector.broadcast %and3A_619 : i32 to vector<16xi32>
        %and3A_621 = arith.andi %add3A_618, %and3A_620 : vector<16xi32>
        %add3A_622 = arith.constant 49 : i32
        %add3A_623 = vector.broadcast %add3A_622 : i32 to vector<16xi32>
        %add3A_624 = arith.addi %add3A_623, %iota3A : vector<16xi32>
        %and3A_625 = arith.constant 63 : i32
        %and3A_626 = vector.broadcast %and3A_625 : i32 to vector<16xi32>
        %and3A_627 = arith.andi %add3A_624, %and3A_626 : vector<16xi32>
        %add3A_628 = arith.constant 50 : i32
        %add3A_629 = vector.broadcast %add3A_628 : i32 to vector<16xi32>
        %add3A_630 = arith.addi %add3A_629, %iota3A : vector<16xi32>
        %and3A_631 = arith.constant 63 : i32
        %and3A_632 = vector.broadcast %and3A_631 : i32 to vector<16xi32>
        %and3A_633 = arith.andi %add3A_630, %and3A_632 : vector<16xi32>
        %add3A_634 = arith.constant 51 : i32
        %add3A_635 = vector.broadcast %add3A_634 : i32 to vector<16xi32>
        %add3A_636 = arith.addi %add3A_635, %iota3A : vector<16xi32>
        %and3A_637 = arith.constant 63 : i32
        %and3A_638 = vector.broadcast %and3A_637 : i32 to vector<16xi32>
        %and3A_639 = arith.andi %add3A_636, %and3A_638 : vector<16xi32>
        %gather3A_640 = tpu.vector_load_idx %arg5[%get3A_83, %and3A_621] : memref<128x64xf32, #tpu.memory_space<vmem>>[vector<16xi32>, vector<16xi32>], vector<16xf32>,
        %gather3A_641 = tpu.vector_load_idx %arg5[%get3A_83, %and3A_627] : memref<128x64xf32, #tpu.memory_space<vmem>>[vector<16xi32>, vector<16xi32>], vector<16xf32>,
        %gather3A_642 = tpu.vector_load_idx %arg5[%get3A_83, %and3A_633] : memref<128x64xf32, #tpu.memory_space<vmem>>[vector<16xi32>, vector<16xi32>], vector<16xf32>,
        %gather3A_643 = tpu.vector_load_idx %arg5[%get3A_83, %and3A_639] : memref<128x64xf32, #tpu.memory_space<vmem>>[vector<16xi32>, vector<16xi32>], vector<16xf32>,
        %add3A_644 = arith.addi %mul3A_90, %and3A_621 : vector<16xi32>
        %scatter3A_645 = arith.constant 0 : i32
        %scatter3A_646 = tpu.memref_slice %arg7[%rem3A_52, %scatter3A_645] : memref<2x32768xf32, #tpu.memory_space<vmem>> -> memref<1x32768xf32, #tpu.memory_space<vmem>>
        %scatter3A_647 = tpu.memref_squeeze %scatter3A_646 : memref<1x32768xf32, #tpu.memory_space<vmem>> -> memref<32768xf32, #tpu.memory_space<vmem>>
        tpu.vector_store_idx %scatter3A_647[%add3A_644], %gather3A_640 : memref<32768xf32, #tpu.memory_space<vmem>>[vector<16xi32>], vector<16xf32>,
        %add3A_648 = arith.addi %mul3A_90, %and3A_627 : vector<16xi32>
        %scatter3A_649 = arith.constant 0 : i32
        %scatter3A_650 = tpu.memref_slice %arg7[%rem3A_52, %scatter3A_649] : memref<2x32768xf32, #tpu.memory_space<vmem>> -> memref<1x32768xf32, #tpu.memory_space<vmem>>
        %scatter3A_651 = tpu.memref_squeeze %scatter3A_650 : memref<1x32768xf32, #tpu.memory_space<vmem>> -> memref<32768xf32, #tpu.memory_space<vmem>>
        tpu.vector_store_idx %scatter3A_651[%add3A_648], %gather3A_641 : memref<32768xf32, #tpu.memory_space<vmem>>[vector<16xi32>], vector<16xf32>,
        %add3A_652 = arith.addi %mul3A_90, %and3A_633 : vector<16xi32>
        %scatter3A_653 = arith.constant 0 : i32
        %scatter3A_654 = tpu.memref_slice %arg7[%rem3A_52, %scatter3A_653] : memref<2x32768xf32, #tpu.memory_space<vmem>> -> memref<1x32768xf32, #tpu.memory_space<vmem>>
        %scatter3A_655 = tpu.memref_squeeze %scatter3A_654 : memref<1x32768xf32, #tpu.memory_space<vmem>> -> memref<32768xf32, #tpu.memory_space<vmem>>
        tpu.vector_store_idx %scatter3A_655[%add3A_652], %gather3A_642 : memref<32768xf32, #tpu.memory_space<vmem>>[vector<16xi32>], vector<16xf32>,
        %add3A_656 = arith.addi %mul3A_90, %and3A_639 : vector<16xi32>
        %scatter3A_657 = arith.constant 0 : i32
        %scatter3A_658 = tpu.memref_slice %arg7[%rem3A_52, %scatter3A_657] : memref<2x32768xf32, #tpu.memory_space<vmem>> -> memref<1x32768xf32, #tpu.memory_space<vmem>>
        %scatter3A_659 = tpu.memref_squeeze %scatter3A_658 : memref<1x32768xf32, #tpu.memory_space<vmem>> -> memref<32768xf32, #tpu.memory_space<vmem>>
        tpu.vector_store_idx %scatter3A_659[%add3A_656], %gather3A_643 : memref<32768xf32, #tpu.memory_space<vmem>>[vector<16xi32>], vector<16xf32>,
        %add3A_660 = arith.constant 52 : i32
        %add3A_661 = vector.broadcast %add3A_660 : i32 to vector<16xi32>
        %add3A_662 = arith.addi %add3A_661, %iota3A : vector<16xi32>
        %and3A_663 = arith.constant 63 : i32
        %and3A_664 = vector.broadcast %and3A_663 : i32 to vector<16xi32>
        %and3A_665 = arith.andi %add3A_662, %and3A_664 : vector<16xi32>
        %add3A_666 = arith.constant 53 : i32
        %add3A_667 = vector.broadcast %add3A_666 : i32 to vector<16xi32>
        %add3A_668 = arith.addi %add3A_667, %iota3A : vector<16xi32>
        %and3A_669 = arith.constant 63 : i32
        %and3A_670 = vector.broadcast %and3A_669 : i32 to vector<16xi32>
        %and3A_671 = arith.andi %add3A_668, %and3A_670 : vector<16xi32>
        %add3A_672 = arith.constant 54 : i32
        %add3A_673 = vector.broadcast %add3A_672 : i32 to vector<16xi32>
        %add3A_674 = arith.addi %add3A_673, %iota3A : vector<16xi32>
        %and3A_675 = arith.constant 63 : i32
        %and3A_676 = vector.broadcast %and3A_675 : i32 to vector<16xi32>
        %and3A_677 = arith.andi %add3A_674, %and3A_676 : vector<16xi32>
        %add3A_678 = arith.constant 55 : i32
        %add3A_679 = vector.broadcast %add3A_678 : i32 to vector<16xi32>
        %add3A_680 = arith.addi %add3A_679, %iota3A : vector<16xi32>
        %and3A_681 = arith.constant 63 : i32
        %and3A_682 = vector.broadcast %and3A_681 : i32 to vector<16xi32>
        %and3A_683 = arith.andi %add3A_680, %and3A_682 : vector<16xi32>
        %gather3A_684 = tpu.vector_load_idx %arg5[%get3A_83, %and3A_665] : memref<128x64xf32, #tpu.memory_space<vmem>>[vector<16xi32>, vector<16xi32>], vector<16xf32>,
        %gather3A_685 = tpu.vector_load_idx %arg5[%get3A_83, %and3A_671] : memref<128x64xf32, #tpu.memory_space<vmem>>[vector<16xi32>, vector<16xi32>], vector<16xf32>,
        %gather3A_686 = tpu.vector_load_idx %arg5[%get3A_83, %and3A_677] : memref<128x64xf32, #tpu.memory_space<vmem>>[vector<16xi32>, vector<16xi32>], vector<16xf32>,
        %gather3A_687 = tpu.vector_load_idx %arg5[%get3A_83, %and3A_683] : memref<128x64xf32, #tpu.memory_space<vmem>>[vector<16xi32>, vector<16xi32>], vector<16xf32>,
        %add3A_688 = arith.addi %mul3A_90, %and3A_665 : vector<16xi32>
        %scatter3A_689 = arith.constant 0 : i32
        %scatter3A_690 = tpu.memref_slice %arg7[%rem3A_52, %scatter3A_689] : memref<2x32768xf32, #tpu.memory_space<vmem>> -> memref<1x32768xf32, #tpu.memory_space<vmem>>
        %scatter3A_691 = tpu.memref_squeeze %scatter3A_690 : memref<1x32768xf32, #tpu.memory_space<vmem>> -> memref<32768xf32, #tpu.memory_space<vmem>>
        tpu.vector_store_idx %scatter3A_691[%add3A_688], %gather3A_684 : memref<32768xf32, #tpu.memory_space<vmem>>[vector<16xi32>], vector<16xf32>,
        %add3A_692 = arith.addi %mul3A_90, %and3A_671 : vector<16xi32>
        %scatter3A_693 = arith.constant 0 : i32
        %scatter3A_694 = tpu.memref_slice %arg7[%rem3A_52, %scatter3A_693] : memref<2x32768xf32, #tpu.memory_space<vmem>> -> memref<1x32768xf32, #tpu.memory_space<vmem>>
        %scatter3A_695 = tpu.memref_squeeze %scatter3A_694 : memref<1x32768xf32, #tpu.memory_space<vmem>> -> memref<32768xf32, #tpu.memory_space<vmem>>
        tpu.vector_store_idx %scatter3A_695[%add3A_692], %gather3A_685 : memref<32768xf32, #tpu.memory_space<vmem>>[vector<16xi32>], vector<16xf32>,
        %add3A_696 = arith.addi %mul3A_90, %and3A_677 : vector<16xi32>
        %scatter3A_697 = arith.constant 0 : i32
        %scatter3A_698 = tpu.memref_slice %arg7[%rem3A_52, %scatter3A_697] : memref<2x32768xf32, #tpu.memory_space<vmem>> -> memref<1x32768xf32, #tpu.memory_space<vmem>>
        %scatter3A_699 = tpu.memref_squeeze %scatter3A_698 : memref<1x32768xf32, #tpu.memory_space<vmem>> -> memref<32768xf32, #tpu.memory_space<vmem>>
        tpu.vector_store_idx %scatter3A_699[%add3A_696], %gather3A_686 : memref<32768xf32, #tpu.memory_space<vmem>>[vector<16xi32>], vector<16xf32>,
        %add3A_700 = arith.addi %mul3A_90, %and3A_683 : vector<16xi32>
        %scatter3A_701 = arith.constant 0 : i32
        %scatter3A_702 = tpu.memref_slice %arg7[%rem3A_52, %scatter3A_701] : memref<2x32768xf32, #tpu.memory_space<vmem>> -> memref<1x32768xf32, #tpu.memory_space<vmem>>
        %scatter3A_703 = tpu.memref_squeeze %scatter3A_702 : memref<1x32768xf32, #tpu.memory_space<vmem>> -> memref<32768xf32, #tpu.memory_space<vmem>>
        tpu.vector_store_idx %scatter3A_703[%add3A_700], %gather3A_687 : memref<32768xf32, #tpu.memory_space<vmem>>[vector<16xi32>], vector<16xf32>,
        %add3A_704 = arith.constant 56 : i32
        %add3A_705 = vector.broadcast %add3A_704 : i32 to vector<16xi32>
        %add3A_706 = arith.addi %add3A_705, %iota3A : vector<16xi32>
        %and3A_707 = arith.constant 63 : i32
        %and3A_708 = vector.broadcast %and3A_707 : i32 to vector<16xi32>
        %and3A_709 = arith.andi %add3A_706, %and3A_708 : vector<16xi32>
        %add3A_710 = arith.constant 57 : i32
        %add3A_711 = vector.broadcast %add3A_710 : i32 to vector<16xi32>
        %add3A_712 = arith.addi %add3A_711, %iota3A : vector<16xi32>
        %and3A_713 = arith.constant 63 : i32
        %and3A_714 = vector.broadcast %and3A_713 : i32 to vector<16xi32>
        %and3A_715 = arith.andi %add3A_712, %and3A_714 : vector<16xi32>
        %add3A_716 = arith.constant 58 : i32
        %add3A_717 = vector.broadcast %add3A_716 : i32 to vector<16xi32>
        %add3A_718 = arith.addi %add3A_717, %iota3A : vector<16xi32>
        %and3A_719 = arith.constant 63 : i32
        %and3A_720 = vector.broadcast %and3A_719 : i32 to vector<16xi32>
        %and3A_721 = arith.andi %add3A_718, %and3A_720 : vector<16xi32>
        %add3A_722 = arith.constant 59 : i32
        %add3A_723 = vector.broadcast %add3A_722 : i32 to vector<16xi32>
        %add3A_724 = arith.addi %add3A_723, %iota3A : vector<16xi32>
        %and3A_725 = arith.constant 63 : i32
        %and3A_726 = vector.broadcast %and3A_725 : i32 to vector<16xi32>
        %and3A_727 = arith.andi %add3A_724, %and3A_726 : vector<16xi32>
        %gather3A_728 = tpu.vector_load_idx %arg5[%get3A_83, %and3A_709] : memref<128x64xf32, #tpu.memory_space<vmem>>[vector<16xi32>, vector<16xi32>], vector<16xf32>,
        %gather3A_729 = tpu.vector_load_idx %arg5[%get3A_83, %and3A_715] : memref<128x64xf32, #tpu.memory_space<vmem>>[vector<16xi32>, vector<16xi32>], vector<16xf32>,
        %gather3A_730 = tpu.vector_load_idx %arg5[%get3A_83, %and3A_721] : memref<128x64xf32, #tpu.memory_space<vmem>>[vector<16xi32>, vector<16xi32>], vector<16xf32>,
        %gather3A_731 = tpu.vector_load_idx %arg5[%get3A_83, %and3A_727] : memref<128x64xf32, #tpu.memory_space<vmem>>[vector<16xi32>, vector<16xi32>], vector<16xf32>,
        %add3A_732 = arith.addi %mul3A_90, %and3A_709 : vector<16xi32>
        %scatter3A_733 = arith.constant 0 : i32
        %scatter3A_734 = tpu.memref_slice %arg7[%rem3A_52, %scatter3A_733] : memref<2x32768xf32, #tpu.memory_space<vmem>> -> memref<1x32768xf32, #tpu.memory_space<vmem>>
        %scatter3A_735 = tpu.memref_squeeze %scatter3A_734 : memref<1x32768xf32, #tpu.memory_space<vmem>> -> memref<32768xf32, #tpu.memory_space<vmem>>
        tpu.vector_store_idx %scatter3A_735[%add3A_732], %gather3A_728 : memref<32768xf32, #tpu.memory_space<vmem>>[vector<16xi32>], vector<16xf32>,
        %add3A_736 = arith.addi %mul3A_90, %and3A_715 : vector<16xi32>
        %scatter3A_737 = arith.constant 0 : i32
        %scatter3A_738 = tpu.memref_slice %arg7[%rem3A_52, %scatter3A_737] : memref<2x32768xf32, #tpu.memory_space<vmem>> -> memref<1x32768xf32, #tpu.memory_space<vmem>>
        %scatter3A_739 = tpu.memref_squeeze %scatter3A_738 : memref<1x32768xf32, #tpu.memory_space<vmem>> -> memref<32768xf32, #tpu.memory_space<vmem>>
        tpu.vector_store_idx %scatter3A_739[%add3A_736], %gather3A_729 : memref<32768xf32, #tpu.memory_space<vmem>>[vector<16xi32>], vector<16xf32>,
        %add3A_740 = arith.addi %mul3A_90, %and3A_721 : vector<16xi32>
        %scatter3A_741 = arith.constant 0 : i32
        %scatter3A_742 = tpu.memref_slice %arg7[%rem3A_52, %scatter3A_741] : memref<2x32768xf32, #tpu.memory_space<vmem>> -> memref<1x32768xf32, #tpu.memory_space<vmem>>
        %scatter3A_743 = tpu.memref_squeeze %scatter3A_742 : memref<1x32768xf32, #tpu.memory_space<vmem>> -> memref<32768xf32, #tpu.memory_space<vmem>>
        tpu.vector_store_idx %scatter3A_743[%add3A_740], %gather3A_730 : memref<32768xf32, #tpu.memory_space<vmem>>[vector<16xi32>], vector<16xf32>,
        %add3A_744 = arith.addi %mul3A_90, %and3A_727 : vector<16xi32>
        %scatter3A_745 = arith.constant 0 : i32
        %scatter3A_746 = tpu.memref_slice %arg7[%rem3A_52, %scatter3A_745] : memref<2x32768xf32, #tpu.memory_space<vmem>> -> memref<1x32768xf32, #tpu.memory_space<vmem>>
        %scatter3A_747 = tpu.memref_squeeze %scatter3A_746 : memref<1x32768xf32, #tpu.memory_space<vmem>> -> memref<32768xf32, #tpu.memory_space<vmem>>
        tpu.vector_store_idx %scatter3A_747[%add3A_744], %gather3A_731 : memref<32768xf32, #tpu.memory_space<vmem>>[vector<16xi32>], vector<16xf32>,
        %add3A_748 = arith.constant 60 : i32
        %add3A_749 = vector.broadcast %add3A_748 : i32 to vector<16xi32>
        %add3A_750 = arith.addi %add3A_749, %iota3A : vector<16xi32>
        %and3A_751 = arith.constant 63 : i32
        %and3A_752 = vector.broadcast %and3A_751 : i32 to vector<16xi32>
        %and3A_753 = arith.andi %add3A_750, %and3A_752 : vector<16xi32>
        %add3A_754 = arith.constant 61 : i32
        %add3A_755 = vector.broadcast %add3A_754 : i32 to vector<16xi32>
        %add3A_756 = arith.addi %add3A_755, %iota3A : vector<16xi32>
        %and3A_757 = arith.constant 63 : i32
        %and3A_758 = vector.broadcast %and3A_757 : i32 to vector<16xi32>
        %and3A_759 = arith.andi %add3A_756, %and3A_758 : vector<16xi32>
        %add3A_760 = arith.constant 62 : i32
        %add3A_761 = vector.broadcast %add3A_760 : i32 to vector<16xi32>
        %add3A_762 = arith.addi %add3A_761, %iota3A : vector<16xi32>
        %and3A_763 = arith.constant 63 : i32
        %and3A_764 = vector.broadcast %and3A_763 : i32 to vector<16xi32>
        %and3A_765 = arith.andi %add3A_762, %and3A_764 : vector<16xi32>
        %add3A_766 = arith.constant 63 : i32
        %add3A_767 = vector.broadcast %add3A_766 : i32 to vector<16xi32>
        %add3A_768 = arith.addi %add3A_767, %iota3A : vector<16xi32>
        %and3A_769 = arith.constant 63 : i32
        %and3A_770 = vector.broadcast %and3A_769 : i32 to vector<16xi32>
        %and3A_771 = arith.andi %add3A_768, %and3A_770 : vector<16xi32>
        %gather3A_772 = tpu.vector_load_idx %arg5[%get3A_83, %and3A_753] : memref<128x64xf32, #tpu.memory_space<vmem>>[vector<16xi32>, vector<16xi32>], vector<16xf32>,
        %gather3A_773 = tpu.vector_load_idx %arg5[%get3A_83, %and3A_759] : memref<128x64xf32, #tpu.memory_space<vmem>>[vector<16xi32>, vector<16xi32>], vector<16xf32>,
        %gather3A_774 = tpu.vector_load_idx %arg5[%get3A_83, %and3A_765] : memref<128x64xf32, #tpu.memory_space<vmem>>[vector<16xi32>, vector<16xi32>], vector<16xf32>,
        %gather3A_775 = tpu.vector_load_idx %arg5[%get3A_83, %and3A_771] : memref<128x64xf32, #tpu.memory_space<vmem>>[vector<16xi32>, vector<16xi32>], vector<16xf32>,
        %add3A_776 = arith.addi %mul3A_90, %and3A_753 : vector<16xi32>
        %scatter3A_777 = arith.constant 0 : i32
        %scatter3A_778 = tpu.memref_slice %arg7[%rem3A_52, %scatter3A_777] : memref<2x32768xf32, #tpu.memory_space<vmem>> -> memref<1x32768xf32, #tpu.memory_space<vmem>>
        %scatter3A_779 = tpu.memref_squeeze %scatter3A_778 : memref<1x32768xf32, #tpu.memory_space<vmem>> -> memref<32768xf32, #tpu.memory_space<vmem>>
        tpu.vector_store_idx %scatter3A_779[%add3A_776], %gather3A_772 : memref<32768xf32, #tpu.memory_space<vmem>>[vector<16xi32>], vector<16xf32>,
        %add3A_780 = arith.addi %mul3A_90, %and3A_759 : vector<16xi32>
        %scatter3A_781 = arith.constant 0 : i32
        %scatter3A_782 = tpu.memref_slice %arg7[%rem3A_52, %scatter3A_781] : memref<2x32768xf32, #tpu.memory_space<vmem>> -> memref<1x32768xf32, #tpu.memory_space<vmem>>
        %scatter3A_783 = tpu.memref_squeeze %scatter3A_782 : memref<1x32768xf32, #tpu.memory_space<vmem>> -> memref<32768xf32, #tpu.memory_space<vmem>>
        tpu.vector_store_idx %scatter3A_783[%add3A_780], %gather3A_773 : memref<32768xf32, #tpu.memory_space<vmem>>[vector<16xi32>], vector<16xf32>,
        %add3A_784 = arith.addi %mul3A_90, %and3A_765 : vector<16xi32>
        %scatter3A_785 = arith.constant 0 : i32
        %scatter3A_786 = tpu.memref_slice %arg7[%rem3A_52, %scatter3A_785] : memref<2x32768xf32, #tpu.memory_space<vmem>> -> memref<1x32768xf32, #tpu.memory_space<vmem>>
        %scatter3A_787 = tpu.memref_squeeze %scatter3A_786 : memref<1x32768xf32, #tpu.memory_space<vmem>> -> memref<32768xf32, #tpu.memory_space<vmem>>
        tpu.vector_store_idx %scatter3A_787[%add3A_784], %gather3A_774 : memref<32768xf32, #tpu.memory_space<vmem>>[vector<16xi32>], vector<16xf32>,
        %add3A_788 = arith.addi %mul3A_90, %and3A_771 : vector<16xi32>
        %scatter3A_789 = arith.constant 0 : i32
        %scatter3A_790 = tpu.memref_slice %arg7[%rem3A_52, %scatter3A_789] : memref<2x32768xf32, #tpu.memory_space<vmem>> -> memref<1x32768xf32, #tpu.memory_space<vmem>>
        %scatter3A_791 = tpu.memref_squeeze %scatter3A_790 : memref<1x32768xf32, #tpu.memory_space<vmem>> -> memref<32768xf32, #tpu.memory_space<vmem>>
        tpu.vector_store_idx %scatter3A_791[%add3A_788], %gather3A_775 : memref<32768xf32, #tpu.memory_space<vmem>>[vector<16xi32>], vector<16xf32>,
      }
      %scan3A_68 = arith.constant 32 : i32
      %mul3A_69 = arith.constant 64 : i32
      %mul3A_70 = arith.muli %multiple_of3A_60, %mul3A_69 : i32
      %dma_start3A = arith.constant 0 : i32
      %dma_start3A_71 = tpu.memref_slice %arg7[%rem3A_52, %dma_start3A] : memref<2x32768xf32, #tpu.memory_space<vmem>> -> memref<1x32768xf32, #tpu.memory_space<vmem>>
      %dma_start3A_72 = tpu.memref_squeeze %dma_start3A_71 : memref<1x32768xf32, #tpu.memory_space<vmem>> -> memref<32768xf32, #tpu.memory_space<vmem>>
      %dma_start3A_73 = tpu.memref_slice %arg4[%mul3A_70] : memref<3200000xf32, #tpu.memory_space<hbm>> -> memref<32768xf32, #tpu.memory_space<hbm>>
      %dma_start3A_74 = tpu.memref_slice %arg8[%rem3A_52] : memref<2x!tpu.dma_semaphore, #tpu.memory_space<semaphore_mem>> -> memref<1x!tpu.dma_semaphore, #tpu.memory_space<semaphore_mem>>
      %dma_start3A_75 = tpu.memref_squeeze %dma_start3A_74 : memref<1x!tpu.dma_semaphore, #tpu.memory_space<semaphore_mem>> -> memref<!tpu.dma_semaphore, #tpu.memory_space<semaphore_mem>>
      %dma_start3A_76 = tpu.memref_slice %arg4[%mul3A_70] : memref<3200000xf32, #tpu.memory_space<hbm>> -> memref<32768xf32, #tpu.memory_space<hbm>>
      %dma_start3A_77 = arith.constant 0 : i32
      %dma_start3A_78 = tpu.memref_slice %arg7[%rem3A_52, %dma_start3A_77] : memref<2x32768xf32, #tpu.memory_space<vmem>> -> memref<1x32768xf32, #tpu.memory_space<vmem>>
      %dma_start3A_79 = tpu.memref_squeeze %dma_start3A_78 : memref<1x32768xf32, #tpu.memory_space<vmem>> -> memref<32768xf32, #tpu.memory_space<vmem>>
      tpu.enqueue_dma source(%dma_start3A_79 : memref<32768xf32, #tpu.memory_space<vmem>>) target(%dma_start3A_76 : memref<32768xf32, #tpu.memory_space<hbm>>) target_semaphore(%dma_start3A_75 : memref<!tpu.dma_semaphore, #tpu.memory_space<semaphore_mem>>)
      scf.yield %multiple_of3A_60 : i32
    }
    %scan3A_6 = arith.constant 4 : i32
    %mul3A_7 = arith.constant 4 : i32
    %mul3A_8 = arith.muli %add3A, %mul3A_7 : i32
    %add3A_9 = arith.constant 2 : i32
    %add3A_10 = arith.addi %mul3A_8, %add3A_9 : i32
    %mul3A_11 = arith.constant 512 : i32
    %mul3A_12 = arith.muli %add3A_10, %mul3A_11 : i32
    %min3A = arith.constant 49488 : i32
    %min3A_13 = arith.minsi %mul3A_12, %min3A : i32
    %multiple_of3A = tpu.assume_multiple %min3A_13, 8 : i32
    %mul3A_14 = arith.constant 64 : i32
    %mul3A_15 = arith.muli %multiple_of3A, %mul3A_14 : i32
    %dma_wait3A = arith.constant 0 : i32
    %dma_wait3A_16 = arith.constant 0 : i32
    %dma_wait3A_17 = arith.constant 0 : i32
    %dma_wait3A_18 = tpu.memref_slice %arg7[%dma_wait3A, %dma_wait3A_17] : memref<2x32768xf32, #tpu.memory_space<vmem>> -> memref<1x32768xf32, #tpu.memory_space<vmem>>
    %dma_wait3A_19 = tpu.memref_squeeze %dma_wait3A_18 : memref<1x32768xf32, #tpu.memory_space<vmem>> -> memref<32768xf32, #tpu.memory_space<vmem>>
    %dma_wait3A_20 = tpu.memref_slice %arg4[%mul3A_15] : memref<3200000xf32, #tpu.memory_space<hbm>> -> memref<32768xf32, #tpu.memory_space<hbm>>
    %dma_wait3A_21 = tpu.memref_slice %arg8[%dma_wait3A_16] : memref<2x!tpu.dma_semaphore, #tpu.memory_space<semaphore_mem>> -> memref<1x!tpu.dma_semaphore, #tpu.memory_space<semaphore_mem>>
    %dma_wait3A_22 = tpu.memref_squeeze %dma_wait3A_21 : memref<1x!tpu.dma_semaphore, #tpu.memory_space<semaphore_mem>> -> memref<!tpu.dma_semaphore, #tpu.memory_space<semaphore_mem>>
    %dma_wait3A_23 = tpu.memref_slice %arg4[%mul3A_15] : memref<3200000xf32, #tpu.memory_space<hbm>> -> memref<32768xf32, #tpu.memory_space<hbm>>
    %dma_wait3A_24 = arith.constant 0 : i32
    %dma_wait3A_25 = tpu.memref_slice %arg7[%dma_wait3A, %dma_wait3A_24] : memref<2x32768xf32, #tpu.memory_space<vmem>> -> memref<1x32768xf32, #tpu.memory_space<vmem>>
    %dma_wait3A_26 = tpu.memref_squeeze %dma_wait3A_25 : memref<1x32768xf32, #tpu.memory_space<vmem>> -> memref<32768xf32, #tpu.memory_space<vmem>>
    tpu.wait_dma2 semaphore(%dma_wait3A_22 : memref<!tpu.dma_semaphore, #tpu.memory_space<semaphore_mem>>) src(%dma_wait3A_26 : memref<32768xf32, #tpu.memory_space<vmem>>) dst(%dma_wait3A_23 : memref<32768xf32, #tpu.memory_space<hbm>>)
    %mul3A_27 = arith.constant 4 : i32
    %mul3A_28 = arith.muli %add3A, %mul3A_27 : i32
    %add3A_29 = arith.constant 3 : i32
    %add3A_30 = arith.addi %mul3A_28, %add3A_29 : i32
    %mul3A_31 = arith.constant 512 : i32
    %mul3A_32 = arith.muli %add3A_30, %mul3A_31 : i32
    %min3A_33 = arith.constant 49488 : i32
    %min3A_34 = arith.minsi %mul3A_32, %min3A_33 : i32
    %multiple_of3A_35 = tpu.assume_multiple %min3A_34, 8 : i32
    %mul3A_36 = arith.constant 64 : i32
    %mul3A_37 = arith.muli %multiple_of3A_35, %mul3A_36 : i32
    %dma_wait3A_38 = arith.constant 1 : i32
    %dma_wait3A_39 = arith.constant 1 : i32
    %dma_wait3A_40 = arith.constant 0 : i32
    %dma_wait3A_41 = tpu.memref_slice %arg7[%dma_wait3A_38, %dma_wait3A_40] : memref<2x32768xf32, #tpu.memory_space<vmem>> -> memref<1x32768xf32, #tpu.memory_space<vmem>>
    %dma_wait3A_42 = tpu.memref_squeeze %dma_wait3A_41 : memref<1x32768xf32, #tpu.memory_space<vmem>> -> memref<32768xf32, #tpu.memory_space<vmem>>
    %dma_wait3A_43 = tpu.memref_slice %arg4[%mul3A_37] : memref<3200000xf32, #tpu.memory_space<hbm>> -> memref<32768xf32, #tpu.memory_space<hbm>>
    %dma_wait3A_44 = tpu.memref_slice %arg8[%dma_wait3A_39] : memref<2x!tpu.dma_semaphore, #tpu.memory_space<semaphore_mem>> -> memref<1x!tpu.dma_semaphore, #tpu.memory_space<semaphore_mem>>
    %dma_wait3A_45 = tpu.memref_squeeze %dma_wait3A_44 : memref<1x!tpu.dma_semaphore, #tpu.memory_space<semaphore_mem>> -> memref<!tpu.dma_semaphore, #tpu.memory_space<semaphore_mem>>
    %dma_wait3A_46 = tpu.memref_slice %arg4[%mul3A_37] : memref<3200000xf32, #tpu.memory_space<hbm>> -> memref<32768xf32, #tpu.memory_space<hbm>>
    %dma_wait3A_47 = arith.constant 0 : i32
    %dma_wait3A_48 = tpu.memref_slice %arg7[%dma_wait3A_38, %dma_wait3A_47] : memref<2x32768xf32, #tpu.memory_space<vmem>> -> memref<1x32768xf32, #tpu.memory_space<vmem>>
    %dma_wait3A_49 = tpu.memref_squeeze %dma_wait3A_48 : memref<1x32768xf32, #tpu.memory_space<vmem>> -> memref<32768xf32, #tpu.memory_space<vmem>>
    tpu.wait_dma2 semaphore(%dma_wait3A_45 : memref<!tpu.dma_semaphore, #tpu.memory_space<semaphore_mem>>) src(%dma_wait3A_49 : memref<32768xf32, #tpu.memory_space<vmem>>) dst(%dma_wait3A_46 : memref<32768xf32, #tpu.memory_space<hbm>>)
    return
  }
}

module attributes {stable_mosaic.version = 14 : i64} {
  func.func @body(%arg0: i32, %arg1: memref<25600xi32, #tpu.memory_space<vmem>>, %arg2: memref<8x32xf32, #tpu.memory_space<vmem>>, %arg3: memref<32x25600xf32, #tpu.memory_space<vmem>>) attributes {dimension_semantics = [#tpu.dimension_semantics<arbitrary>], iteration_bounds = array<i64: 63>, scalar_prefetch = 0 : i64, scratch_operands = 0 : i64, tpu.core_type = #tpu.core_type<tc>, window_params = [{transform_indices = @transform_0, window_bounds = array<i64: 25600>}, {pipeline_mode = #tpu.pipeline_mode<synchronous>, transform_indices = @transform_1, window_bounds = array<i64: 8, 32>}, {transform_indices = @transform_2, window_bounds = array<i64: 32, 25600>}]} {
    %get3A = arith.constant 0 : index
    %get3A_0 = vector.load %arg1[%get3A] : memref<25600xi32, #tpu.memory_space<vmem>>, vector<25600xi32>
    %reshape3A = vector.shape_cast %get3A_0 : vector<25600xi32> to vector<1x25600xi32>
    %iota3A = tpu.iota {dimensions = array<i32: 0>} : vector<8x1xi32>
    %eq3A = vector.broadcast %iota3A : vector<8x1xi32> to vector<8x25600xi32>
    %eq3A_1 = vector.broadcast %reshape3A : vector<1x25600xi32> to vector<8x25600xi32>
    %eq3A_2 = arith.cmpi eq, %eq3A, %eq3A_1 : vector<8x25600xi32>
    %convert_element_type3A = arith.extui %eq3A_2 : vector<8x25600xi1> to vector<8x25600xi32>
    %convert_element_type3A_3 = arith.sitofp %convert_element_type3A : vector<8x25600xi32> to vector<8x25600xf32>
    %get3A_4 = arith.constant 0 : index
    %get3A_5 = arith.constant 0 : index
    %get3A_6 = vector.load %arg2[%get3A_4, %get3A_5] : memref<8x32xf32, #tpu.memory_space<vmem>>, vector<8x32xf32>
    %dot_general3A = arith.constant dense<0.000000e+00> : vector<32x25600xf32>
    %dot_general3A_7 = tpu.matmul %get3A_6, %convert_element_type3A_3, %dot_general3A {dimension_numbers = #tpu.dot_dimension_numbers<[0], [0], [1], [1], [0, 1, 1, 1], [], []>, precision = #tpu.contract_precision<fp32>, transpose_lhs_hint = false} : vector<8x32xf32>, vector<8x25600xf32>, vector<32x25600xf32> -> vector<32x25600xf32>
    %swap3A = arith.constant 0 : index
    %swap3A_8 = arith.constant 0 : index
    %swap3A_9 = vector.load %arg3[%swap3A, %swap3A_8] : memref<32x25600xf32, #tpu.memory_space<vmem>>, vector<32x25600xf32>
    tpu.vector_store %arg3[%swap3A, %swap3A_8], %dot_general3A_7 {strides = array<i32>} : memref<32x25600xf32, #tpu.memory_space<vmem>>, vector<32x25600xf32>,
    return
  }
  func.func @transform_0(%arg0: i32) -> i32 {
    %c0_i32 = arith.constant 0 : i32
    return %arg0 : i32
  }
  func.func @transform_1(%arg0: i32) -> (i32, i32) {
    %c0_i32 = arith.constant 0 : i32
    %c0_i32_0 = arith.constant 0 : i32
    %c0_i32_1 = arith.constant 0 : i32
    return %c0_i32, %c0_i32_0 : i32, i32
  }
  func.func @transform_2(%arg0: i32) -> (i32, i32) {
    %c0_i32 = arith.constant 0 : i32
    %c0_i32_0 = arith.constant 0 : i32
    return %c0_i32, %arg0 : i32, i32
  }
}

module attributes {stable_mosaic.version = 14 : i64} {
  func.func @body(%arg0: memref<256x1xf32, #tpu.memory_space<vmem>>, %arg1: memref<25x2000xi32, #tpu.memory_space<vmem>>, %arg2: memref<1024x128xf32, #tpu.memory_space<vmem>>, %arg3: memref<128x128xf32, #tpu.memory_space<vmem>>, %arg4: memref<1x128xf32, #tpu.memory_space<vmem>>, %arg5: memref<256x256xf32, #tpu.memory_space<vmem>>) attributes {dimension_semantics = [], scalar_prefetch = 0 : i64, scratch_operands = 0 : i64, tpu.core_type = #tpu.core_type<tc>} {
    %iota3A = tpu.iota {dimensions = array<i32: 0>} : vector<256x1xi32>
    %broadcast_in_dim3A = arith.constant 0.000000e+00 : f32
    %broadcast_in_dim3A_0 = vector.broadcast %broadcast_in_dim3A : f32 to vector<256x1xf32>
    %scan3A = arith.constant 0 : i32
    %scan3A_1 = arith.constant 25 : i32
    %scan3A_2 = arith.addi %scan3A, %scan3A_1 : i32
    %scan3A_3 = arith.constant 1 : i32
    %scan3A_4 = scf.for %scan3A_41 = %scan3A to %scan3A_2 step %scan3A_3 iter_args(%scan3A_42 = %broadcast_in_dim3A_0) -> (vector<256x1xf32>)  : i32 {
      %get3A_43 = arith.index_cast %scan3A_41 : i32 to index
      %get3A_44 = arith.constant 0 : index
      %get3A_45 = vector.load %arg1[%get3A_43, %get3A_44] : memref<25x2000xi32, #tpu.memory_space<vmem>>, vector<1x2000xi32>
      %eq3A_46 = vector.broadcast %get3A_45 : vector<1x2000xi32> to vector<256x2000xi32>
      %eq3A_47 = vector.broadcast %iota3A : vector<256x1xi32> to vector<256x2000xi32>
      %eq3A_48 = arith.cmpi eq, %eq3A_46, %eq3A_47 : vector<256x2000xi32>
      %convert_element_type3A_49 = arith.extui %eq3A_48 : vector<256x2000xi1> to vector<256x2000xi32>
      %convert_element_type3A_50 = arith.sitofp %convert_element_type3A_49 : vector<256x2000xi32> to vector<256x2000xf32>
      %reduce_sum3A = arith.constant dense<0.000000e+00> : vector<256xf32>
      %reduce_sum3A_51 = vector.multi_reduction <add>, %convert_element_type3A_50, %reduce_sum3A [1] : vector<256x2000xf32> to vector<256xf32>
      %broadcast_in_dim3A_52 = vector.shape_cast %reduce_sum3A_51 : vector<256xf32> to vector<256x1xf32>
      %add3A_53 = arith.addf %scan3A_42, %broadcast_in_dim3A_52 : vector<256x1xf32>
      scf.yield %add3A_53 : vector<256x1xf32>
    }
    %scan3A_5 = arith.constant 25 : i32
    %convert_element_type3A = arith.fptosi %scan3A_4 : vector<256x1xf32> to vector<256x1xi32>
    %jit3A = arith.constant 0 : i32
    %jit3A_6 = arith.constant 1023 : i32
    %max3A = vector.broadcast %jit3A : i32 to vector<256x1xi32>
    %max3A_7 = arith.maxsi %max3A, %convert_element_type3A : vector<256x1xi32>
    %min3A = vector.broadcast %jit3A_6 : i32 to vector<256x1xi32>
    %min3A_8 = arith.minsi %min3A, %max3A_7 : vector<256x1xi32>
    %iota3A_9 = tpu.iota {dimensions = array<i32: 1>} : vector<1x1024xi32>
    %eq3A = vector.broadcast %min3A_8 : vector<256x1xi32> to vector<256x1024xi32>
    %eq3A_10 = vector.broadcast %iota3A_9 : vector<1x1024xi32> to vector<256x1024xi32>
    %eq3A_11 = arith.cmpi eq, %eq3A, %eq3A_10 : vector<256x1024xi32>
    %convert_element_type3A_12 = arith.extui %eq3A_11 : vector<256x1024xi1> to vector<256x1024xi32>
    %convert_element_type3A_13 = arith.sitofp %convert_element_type3A_12 : vector<256x1024xi32> to vector<256x1024xf32>
    %get3A = arith.constant 0 : index
    %get3A_14 = arith.constant 0 : index
    %get3A_15 = vector.load %arg2[%get3A, %get3A_14] : memref<1024x128xf32, #tpu.memory_space<vmem>>, vector<1024x128xf32>
    %dot_general3A = arith.constant dense<0.000000e+00> : vector<256x128xf32>
    %dot_general3A_16 = tpu.matmul %convert_element_type3A_13, %get3A_15, %dot_general3A {dimension_numbers = #tpu.dot_dimension_numbers<[1], [0], [0], [1], [0, 0, 1, 1], [], []>, precision = #tpu.contract_precision<fp32>, transpose_lhs_hint = false} : vector<256x1024xf32>, vector<1024x128xf32>, vector<256x128xf32> -> vector<256x128xf32>
    %iota3A_17 = tpu.iota {dimensions = array<i32: 1>} : vector<1x64xi32>
    %convert_element_type3A_18 = arith.sitofp %iota3A_17 : vector<1x64xi32> to vector<1x64xf32>
    %mul3A = arith.constant -0.14391157 : f32
    %mul3A_19 = vector.broadcast %mul3A : f32 to vector<1x64xf32>
    %mul3A_20 = arith.mulf %mul3A_19, %convert_element_type3A_18 : vector<1x64xf32>
    %exp3A = math.exp %mul3A_20 : vector<1x64xf32>
    %get3A_21 = arith.constant 0 : index
    %get3A_22 = arith.constant 0 : index
    %get3A_23 = vector.load %arg0[%get3A_21, %get3A_22] : memref<256x1xf32, #tpu.memory_space<vmem>>, vector<256x1xf32>
    %mul3A_24 = vector.broadcast %get3A_23 : vector<256x1xf32> to vector<256x64xf32>
    %mul3A_25 = vector.broadcast %exp3A : vector<1x64xf32> to vector<256x64xf32>
    %mul3A_26 = arith.mulf %mul3A_24, %mul3A_25 : vector<256x64xf32>
    %sin3A = math.sin %mul3A_26 : vector<256x64xf32>
    %cos3A = math.cos %mul3A_26 : vector<256x64xf32>
    %concatenate3A = tpu.concatenate %sin3A, %cos3A in 1 : vector<256x64xf32>, vector<256x64xf32> -> vector<256x128xf32>
    %get3A_27 = arith.constant 0 : index
    %get3A_28 = arith.constant 0 : index
    %get3A_29 = vector.load %arg3[%get3A_27, %get3A_28] : memref<128x128xf32, #tpu.memory_space<vmem>>, vector<128x128xf32>
    %dot_general3A_30 = arith.constant dense<0.000000e+00> : vector<256x128xf32>
    %dot_general3A_31 = tpu.matmul %concatenate3A, %get3A_29, %dot_general3A_30 {dimension_numbers = #tpu.dot_dimension_numbers<[1], [0], [0], [1], [0, 0, 1, 1], [], []>, transpose_lhs_hint = false} : vector<256x128xf32>, vector<128x128xf32>, vector<256x128xf32> -> vector<256x128xf32>
    %get3A_32 = arith.constant 0 : index
    %get3A_33 = arith.constant 0 : index
    %get3A_34 = vector.load %arg4[%get3A_32, %get3A_33] : memref<1x128xf32, #tpu.memory_space<vmem>>, vector<1x128xf32>
    %add3A = vector.broadcast %get3A_34 : vector<1x128xf32> to vector<256x128xf32>
    %add3A_35 = arith.addf %dot_general3A_31, %add3A : vector<256x128xf32>
    %swap3A = arith.constant 0 : index
    %swap3A_36 = arith.constant 0 : index
    %swap3A_37 = vector.load %arg5[%swap3A, %swap3A_36] : memref<256x256xf32, #tpu.memory_space<vmem>>, vector<256x128xf32>
    tpu.vector_store %arg5[%swap3A, %swap3A_36], %add3A_35 {strides = array<i32>} : memref<256x256xf32, #tpu.memory_space<vmem>>, vector<256x128xf32>,
    %swap3A_38 = arith.constant 0 : index
    %swap3A_39 = arith.constant 128 : index
    %swap3A_40 = vector.load %arg5[%swap3A_38, %swap3A_39] : memref<256x256xf32, #tpu.memory_space<vmem>>, vector<256x128xf32>
    tpu.vector_store %arg5[%swap3A_38, %swap3A_39], %dot_general3A_16 {strides = array<i32>} : memref<256x256xf32, #tpu.memory_space<vmem>>, vector<256x128xf32>,
    return
  }
}

</mosaic_0001>

<sc_bundles>
// kernel: kernel.5.cloned.1.call-start
scs
__scs_entry_jumppad:
0x0: {  	(pc) =	sbr.rel $0x88, $3  }
0x1: {  	(tag) =	ssettag $0x0;
	lr =	simm.s32 $0x1  }
0x2: {  	[smem:$0x3F98] =	sst lr;
	_ =	strace $0xD0000000  }
0x3: {  	_ = 	snop  }
0x4: {  	_ = 	snop  }
0x5: {  	_ = 	snop  }
0x6: {  	_ = 	snop  }
0x7: {  	_ = 	snop  }
__scs_overlays_trampoline_lowered:
0x8: {  	[smem:$0x3FA7] =	sst s0  }
0x9: {  	[smem:$0x3FA8] =	sst s1  }
0xa: {  	[smem:$0x3FA9] =	sst s2  }
0xb: {  	[smem:$0x3FAA] =	sst s3  }
0xc: {  	[smem:$0x3FAB] =	sst s4  }
0xd: {  	[smem:$0x3FAC] =	sst s5  }
0xe: {  	[smem:$0x3FAD] =	sst s6  }
0xf: {  	[smem:$0x3FAE] =	sst s7  }
0x10: {  	[smem:$0x3FAF] =	sst s8  }
0x11: {  	[smem:$0x3FB0] =	sst s9;
	s0 =	simm.s32 @!p0 $0x0  }
0x12: {  	s1 =	sld [smem:$0x3F96];
	s0 =	simm.s32 @p0 $0x1  }
0x13: {  	[smem:$0x3FB1] =	sst s0;
	s0 =	simm.s32 @!p1 $0x0  }
0x14: {  	s2 =	sld [smem:$0x3F95];
	s0 =	simm.s32 @p1 $0x1  }
0x15: {  	[smem:$0x3FB2] =	sst s0;
	s0 =	simm.s32 @!p2 $0x0  }
0x16: {  	s3 =	sld [smem:$0x3FDB];
	s0 =	simm.s32 @p2 $0x1  }
0x17: {  	s4 =	simm.s32 $0x1BF5;
	[smem:$0x3FB4] =	sst s0  }
0x18: {  	s0 =	sld [smem:$0x3F97];
	_ =	swait.ge [sflag:s4], $0x0  }
0x19: {  	s7 =	sld [smem:$0x3F98]  }
0x1a: {  	s8 =	sadd.s32 $0xFFFFE003, lr  }
0x1b: {  	s9 =	sadd.s32 $0xFFFFFEF7, lr;
	s5 =	simm.s32 $0xFFFFFFFF;
	p2 =	slt.u32 s8, $0xFFFFF086  }
0x1c: {  	p1 =	slt.u32 s9, $0xF7A;
	s5 =	simm.s32 @!p2 $0x0  }
0x1d: {  	s5 =	simm.s32 @p1 $0x1;
	p0 =	seq.s32 s7, s2  }
0x1e: {  	s7 =	smul.u32 @!p0 $0xF7A, s2;
	p2 =	seq.s32 @!p0 s5, $0x0  }
0x1f: {  	s9 =	smul.u32 $0xF7A, s1;
	s8 =	simm.s32 @!p0 $0x1BF5;
	p2 =	por !p2, p0  }
0x20: {  	[sflag:s8] =	ssyncset.s32 @!p0 $0xFFFFF086;
	s6 =	sadd.s32 @!p0 s3, s7;
	s7 =	simm.s32 @!p0 $0x108  }
0x21: {  	s3 =	sadd.s32 s3, s9;
	s6 =	sadd.s32 @!p0 $0x88, s6;
	s7 =	simm.s32 @p2 $0x1082  }
0x22: {  	[simem:s7], [sflag:s8] =	dma.local @!p0 [hbm:s6], $0xF7A  }
0x23: {  	s9 =	sor.u32 $0xD0000000, s2;
	s6 =	simm.s32 $0x108;
	_ =	swait.ge @!p0 [sflag:s8], $0x0  }
0x24: {  	s3 =	sadd.s32 $0x88, s3;
	s6 =	simm.s32 @!p1 $0x1082;
	[sflag:s4] =	ssyncset.s32 $0xFFFFF086  }
0x25: {  	[simem:s6], [sflag:s4] =	dma.local [hbm:s3], $0xF7A  }
0x26: {  	[smem:$0x3F98] =	sst s1;
	(tag) =	ssettag s2;
	_ =	strace s9  }
0x27: {  	s1 =	sld [smem:$0x3FA8]  }
0x28: {  	s2 =	sld [smem:$0x3FA9]  }
0x29: {  	s4 =	sld [smem:$0x3FAB]  }
0x2a: {  	p0 =	seq.s32 s5, $0x0;
	s5 =	sld [smem:$0x3FAC]  }
0x2b: {  	s6 =	sld [smem:$0x3FAD]  }
0x2c: {  	s7 =	sld [smem:$0x3FAE]  }
0x2d: {  	s3 =	simm.s32 $0x108;
	s8 =	sld [smem:$0x3FAF]  }
0x2e: {  	s3 =	simm.s32 @!p0 $0x1082;
	s9 =	sld [smem:$0x3FB0]  }
0x2f: {  	lr =	sadd.s32 s0, s3;
	s0 =	sld [smem:$0x3FA7]  }
0x30: {  	s3 =	sld [smem:$0x3FAA]  }
0x31: {  	[smem:$0x3FB3] =	sst s10  }
0x32: {  	s10 =	sld [smem:$0x3FB1];
	_ =	sdelay $0x3  }
0x33: {  	p0 =	seq.s32 s10, $0x1;
	s10 =	sld [smem:$0x3FB3];
	_ =	sdelay $0x3  }
0x34: {  	[smem:$0x3FB3] =	sst s10  }
0x35: {  	s10 =	sld [smem:$0x3FB2];
	_ =	sdelay $0x3  }
0x36: {  	p1 =	seq.s32 s10, $0x1;
	s10 =	sld [smem:$0x3FB3];
	_ =	sdelay $0x3  }
0x37: {  	[smem:$0x3FB3] =	sst s10  }
0x38: {  	s10 =	sld [smem:$0x3FB4]  }
0x39: {  	_ = 	snop;
	(pc) =	sbr.ind lr, $3  }
0x3a: {  	_ = 	snop  }
0x3b: {  	_ = 	snop  }
0x3c: {  	p2 =	seq.s32 s10, $0x1;
	s10 =	sld [smem:$0x3FB3]  }
0x3d: {  	_ =	shalt  }
0x3e: {  	_ =	shalt  }
0x3f: {  	_ =	shalt  }
0x40: {  	_ =	shalt  }
0x41: {  	_ =	shalt  }
0x42: {  	_ =	shalt  }
0x43: {  	_ =	shalt  }
0x44: {  	_ =	shalt  }
0x45: {  	_ =	shalt  }
0x46: {  	_ =	shalt  }
0x47: {  	_ =	shalt  }
0x48: {  	_ =	shalt  }
0x49: {  	_ =	shalt  }
0x4a: {  	_ =	shalt  }
0x4b: {  	_ =	shalt  }
0x4c: {  	_ =	shalt  }
0x4d: {  	_ =	shalt  }
0x4e: {  	_ =	shalt  }
0x4f: {  	_ =	shalt  }
0x50: {  	_ =	shalt  }
0x51: {  	_ =	shalt  }
0x52: {  	_ =	shalt  }
0x53: {  	_ =	shalt  }
0x54: {  	_ =	shalt  }
0x55: {  	_ =	shalt  }
0x56: {  	_ =	shalt  }
0x57: {  	_ =	shalt  }
0x58: {  	_ =	shalt  }
0x59: {  	_ =	shalt  }
0x5a: {  	_ =	shalt  }
0x5b: {  	_ =	shalt  }
0x5c: {  	_ =	shalt  }
0x5d: {  	_ =	shalt  }
0x5e: {  	_ =	shalt  }
0x5f: {  	_ =	shalt  }
0x60: {  	_ =	shalt  }
0x61: {  	_ =	shalt  }
0x62: {  	_ =	shalt  }
0x63: {  	_ =	shalt  }
0x64: {  	_ =	shalt  }
0x65: {  	_ =	shalt  }
0x66: {  	_ =	shalt  }
0x67: {  	_ =	shalt  }
0x68: {  	_ =	shalt  }
0x69: {  	_ =	shalt  }
0x6a: {  	_ =	shalt  }
0x6b: {  	_ =	shalt  }
0x6c: {  	_ =	shalt  }
0x6d: {  	_ =	shalt  }
0x6e: {  	_ =	shalt  }
0x6f: {  	_ =	shalt  }
0x70: {  	_ =	shalt  }
0x71: {  	_ =	shalt  }
0x72: {  	_ =	shalt  }
0x73: {  	_ =	shalt  }
0x74: {  	_ =	shalt  }
0x75: {  	_ =	shalt  }
0x76: {  	_ =	shalt  }
0x77: {  	_ =	shalt  }
0x78: {  	_ =	shalt  }
0x79: {  	_ =	shalt  }
0x7a: {  	_ =	shalt  }
0x7b: {  	_ =	shalt  }
0x7c: {  	_ =	shalt  }
0x7d: {  	_ =	shalt  }
0x7e: {  	_ =	shalt  }
0x7f: {  	_ =	shalt  }
0x80: {  	_ =	shalt  }
0x81: {  	_ =	shalt  }
0x82: {  	_ =	shalt  }
0x83: {  	_ =	shalt  }
0x84: {  	_ =	shalt  }
0x85: {  	_ =	shalt  }
0x86: {  	_ =	shalt  }
0x87: {  	_ =	shalt  }
.Lfunc_end0:
.L_simem_size_0:
called_computation_lowered:
.L_overlay_start_0:
0x88: {  	s2 =	sld [smem:$0x3FD9]  }
0x89: {  	s3 =	sld [smem:$0x3FFE];
	_ =	sdelay $0x1  }
0x8a: {  	s1 =	srdreg.scid  }
0x8b: {  	s0 =	sand.u32 $0x1, s1  }
0x8c: {  	s14 =	sshll.u32 s0, $0xA;
	s2 =	sadd.s32 s3, s2  }
0x8d: {  	s2 =	sadd.s32 s2, s14  }
0x8e: {  	[smem:$0x3FBF] =	sst s2  }
0x8f: {  	_ = 	snop  }
0x90: {  	s2 =	sld [smem:$0x3FD0];
	_ =	sdelay $0x2  }
0x91: {  	s4 =	simm.s32 $0xA;
	s5 =	simm.s32 $0x10;
	s15 =	sld [smem:$0x3FC9]  }
0x92: {  	[smem:s5], [sflag:s4] =	dma.local [hbm:s2], $0x1  }
0x93: {  	_ =	swait.eq [sflag:s4], $0x1  }
0x94: {  	[sflag:s4] =	ssyncset.done $0x0  }
0x95: {  	[sflag:s4] =	ssyncadd.s32 $0xFFFFFFFF  }
0x96: {  	s16 =	sld [smem:$0x10];
	(tm) =	ssettm $0x1  }
0x97: {  	s17 =	sld [smem:$0x3FFB];
	_ =	sdelay $0x3  }
0x98: {  	_ =	strace s17  }
0x99: {  	s4 =	sld [smem:$0x3FFC];
	_ =	sdelay $0x3  }
0x9a: {  	_ =	strace s4  }
0x9b: {  	s4 =	sld [smem:$0x3FFD];
	_ =	sdelay $0x3  }
0x9c: {  	_ =	strace s4  }
0x9d: {  	_ =	strace $0x8FFFFFFF  }
0x9e: {  	s18 =	sld [smem:$0x3FDB];
	_ =	sdelay $0x1  }
0x9f: {  	s19 =	simm.s32 $_scs_section_size  }
0xa0: {  	s6 =	simm.s32 $_size__tile_overlayer_lowered;
	s7 =	simm.s32 $_tile_overlayer_lowered  }
0xa1: {  	s22 =	simm.s32 $0x1BFF;
	s21 =	sshll.u32 s7, $0x1;
	s4 =	sadd.s32 s19, s18  }
0xa2: {  	s8 =	simm.s32 $0x0;
	s20 =	sshll.u32 s6, $0x1;
	s6 =	sadd.s32 s21, s4  }
0xa3: {  	[timem:s8], [sflag:s22] =	dma.local [hbm:s6], s20  }
0xa4: {  	_ =	swait.ge [sflag:s22], s20  }
0xa5: {  	s5 =	ssub.s32 $0x0, s20;
	[sflag:s22] =	ssyncset.done $0x0  }
0xa6: {  	[sflag:s22] =	ssyncadd.s32 s5;
	_ =	sdelay $0x1  }
0xa7: {  	s23 =	simm.s32 $0x1B8B  }
0xa8: {  	_ =	swait.ge [sflag:s23], $0x1  }
0xa9: {  	[sflag:s23] =	ssyncset.done $0x0  }
0xaa: {  	s25 =	simm.s32 $0x1B8E;
	s24 =	sld [smem:$0x3FFE];
	[sflag:s23] =	ssyncadd.s32 $0xFFFFFFFF  }
0xab: {  	s26 =	simm.s32 $execute0_lowered;
	[smem:$0x3FD2] =	sst s25  }
0xac: {  	s6 =	sshll.u32 s26, $0x1;
	_ =	strace $0x80000046;
	[dreg:$0x1] =	wrdreg $0xFFFFFFFF  }
0xad: {  	s28 =	simm.s32 $_size_execute0_lowered;
	s4 =	sadd.s32 s4, s6;
	[dreg:$0x0] =	wrdreg $0x0  }
0xae: {  	s6 =	sshll.u32 s28, $0x1;
	[dreg:$0x2] =	wrdreg s4  }
0xaf: {  	[dreg:$0x3] =	wrdreg s6  }
0xb0: {  	[dreg:$0x4] =	wrdreg $0xC0  }
0xb1: {  	_ =	task [dreg:s8], $0x5FFFF  }
0xb2: {  	[dreg:$0x1] =	wrdreg $0xFFFFFFFF  }
0xb3: {  	[dreg:$0x0] =	wrdreg $0x60  }
0xb4: {  	[dreg:$0x2] =	wrdreg s15  }
0xb5: {  	[dreg:$0x3] =	wrdreg s24  }
0xb6: {  	[dreg:$0x4] =	wrdreg s16  }
0xb7: {  	[dreg:$0x5] =	wrdreg $0x9  }
0xb8: {  	_ =	task.clear_ibuf [dreg:s8], $0x6FFFF;
	_ =	strace $0x90000046  }
0xb9: {  	s29 =	simm.s32 $0x9;
	_ =	strace $0x80000048  }
0xba: {  	_ =	swait.ge [sflag:s29], $0x1  }
0xbb: {  	[sflag:s29] =	ssyncadd.s32 $0xFFFFFFFF  }
0xbc: {  	_ =	strace $0x90000048  }
0xbd: {  	_ =	sfence  }
0xbe: {  	s30 =	sld [smem:$0x0];
	_ =	sdelay $0x2  }
0xbf: {  	s31 =	sshll.u32 s1, $0xD;
	s1 =	sshrl.u32 s1, $0x2  }
0xc0: {  	s3 =	sand.u32 $0x4000, s31;
	s1 =	sadd.s32 s1, s30  }
0xc1: {  	s0 =	sor.u32 s3, s0;
	s1 =	sshll.u32 s1, $0x11  }
0xc2: {  	s0 =	sor.u32 s1, s0  }
0xc3: {  	s0 =	sadd.s32 $0x8F2B, s0  }
0xc4: {  	[sflag:s0] =	ssyncadd.remote.s32 $0x1  }
0xc5: {  	_ =	sfence.sel $0xFFFF  }
0xc6: {  	[dreg:$0x0] =	wrdreg $0xFFFFFFFF;
	(pc) =	sbr.abs _section_cstart, $3  }
0xc7: {  	[dreg:$0x1] =	wrdreg $0xFFFFFFFF  }
0xc8: {  	_ =	task.clear_ibuf [dreg:s8], $0x2FFFF;
	_ =	strace $0x9FFFFFFF  }
0xc9: {  	(tm) =	ssettm $0x7FFFFFFF  }
tec
execute0_lowered:
.L_overlay_start_1:
0x0: {  	(tag) =	ssettag $0x1  }
0x1: {  	v3 =	vlaneseq.u32;
	v0 =	vimm.s32 $0x34333231;
	v1 =	vimm.s32 $0x38373635  }
0x2: {  	v2 =	vimm.s32 $0x3C3B3A39;
	v37 =	vimm.s32 $0x3F3E3D;
	vm0 =	vcmask $0x1F10  }
0x3: {  	v38 =	vimm.s32 $0x39383736;
	v40 =	vimm.s32 $0x3D3C3B3A;
	v41 =	vimm.s32 $0x1003F3E  }
0x4: {  	v52 =	vimm.s32 $0x36353433;
	v59 =	vimm.s32 $0x3020100;
	v60 =	vimm.s32 $0x3A393837  }
0x5: {  	v46 =	vimm.s32 $0x201003F;
	v47 =	vimm.s32 $0x3F3E3D3C;
	v48 =	vimm.s32 $0x37363534  }
0x6: {  	v62 =	vimm.s32 $0x87654321;
	vm1 =	vcmask $0x2F10;
	vm2 =	vcmask $0x3F30  }
0x7: {  	v7 =	vmul.u32 $0x40, v3;
	v8 =	vadd.s32 $0x1, v3;
	v9 =	vadd.s32 $0x2, v3  }
0x8: {  	v10 =	vadd.s32 $0x3, v3;
	v4 =	vadd.s32 $0x4, v3;
	v5 =	vadd.s32 $0x5, v3  }
0x9: {  	v6 =	vadd.s32 $0x6, v3;
	v11 =	vadd.s32 $0x7, v3;
	v12 =	vadd.s32 $0x8, v3  }
0xa: {  	v13 =	vadd.s32 $0x9, v3;
	v14 =	vadd.s32 $0xA, v3;
	v15 =	vadd.s32 $0xB, v3  }
0xb: {  	v16 =	vadd.s32 $0xC, v3;
	v17 =	vadd.s32 $0xD, v3;
	v18 =	vadd.s32 $0xE, v3  }
0xc: {  	v19 =	vadd.s32 $0xF, v3;
	v20 =	vor.u32 $0x10, v3;
	v21 =	vadd.s32 $0x11, v3  }
0xd: {  	v22 =	vadd.s32 $0x12, v3;
	v23 =	vadd.s32 $0x13, v3;
	v24 =	vadd.s32 $0x14, v3  }
0xe: {  	v25 =	vadd.s32 $0x15, v3;
	v26 =	vadd.s32 $0x16, v3;
	v27 =	vadd.s32 $0x17, v3  }
0xf: {  	v28 =	vadd.s32 $0x18, v3;
	v29 =	vadd.s32 $0x19, v3;
	v30 =	vadd.s32 $0x1A, v3  }
0x10: {  	v31 =	vadd.s32 $0x1B, v3;
	v44 =	vadd.s32 $0x1C, v3;
	v45 =	vadd.s32 $0x1D, v3  }
0x11: {  	v50 =	vadd.s32 $0x1E, v3;
	v0 =	vunpack.c.0.s8.s32 v0;
	v32 =	vunpack.c.0.s8.s32 v1  }
0x12: {  	v33 =	vunpack.c.0.s8.s32 v2;
	v1 =	vunpack.c.0.s8.s32 v37;
	v2 =	vimm.s32 $0x35343332  }
0x13: {  	v49 =	vunpack.c.0.s8.s32 v38;
	v51 =	vunpack.c.0.s8.s32 v40;
	v38 =	vunpack.c.0.s8.s32 v41  }
0x14: {  	v40 =	vunpack.c.0.s8.s32 v59;
	v61 =	vunpack.c.0.s8.s32 v48;
	v42 =	vunpack.c.0.s8.s32 v60  }
0x15: {  	v41 =	vunpack.c.l.s4.s8 v62;
	v48 =	vimm.s32 $0x4030201;
	v2 =	vunpack.c.0.s8.s32 v2  }
0x16: {  	v0 =	vsel vm0, v32, v0;
	[tilespmem:$0x1FE80] =	vst v33;
	v37 =	vsel vm0, v1, v33;
	v33 =	vunpack.c.0.s8.s32 v47  }
0x17: {  	[tilespmem:$0x1FE90] =	vst v49;
	v36 =	vcombine.low v0, v37;
	v0 =	vsel vm0, v49, v2;
	v49 =	vimm.s32 $0x3B3A3938  }
0x18: {  	v41 =	vunpack.c.0.s8.s32 v41;
	v2 =	vsel vm0, v38, v51;
	v39 =	vunpack.c.0.s8.s32 v49  }
0x19: {  	[tilespmem:$0x1FE70] =	vst v32;
	v32 =	vcombine.low v0, v2;
	v0 =	vunpack.c.0.s8.s32 v52;
	v40 =	vsel vm0, v40, v33  }
0x1a: {  	v49 =	vimm.s32 $0x32107654;
	v52 =	vimm.s32 $0x98765432;
	v63 =	vsel vm0, v39, v61  }
0x1b: {  	[tilespmem:$0x1FEB0] =	vst v39;
	v39 =	vcombine.low v63, v40;
	v40 =	vunpack.c.0.s8.s32 v48;
	v48 =	vunpack.c.l.s4.s8 v52  }
0x1c: {  	v43 =	vunpack.c.0.s8.s32 v46;
	v41 =	vand.u32 $0xF, v41;
	v46 =	vunpack.c.l.s4.s8 v49  }
0x1d: {  	v62 =	vimm.s32 $0x43218765;
	v37 =	vcombine.low v37, v41;
	v60 =	vunpack.c.0.s8.s32 v48  }
0x1e: {  	[tilespmem:$0x1FEA0] =	vst v51;
	v51 =	vimm.s32 $0x5040302;
	v41 =	vunpack.c.l.s4.s8 v62;
	v46 =	vunpack.c.0.s8.s32 v46  }
0x1f: {  	[tilespmem:$0x1FEE0] =	vst v37;
	v63 =	vimm.s32 $0xB0A0908;
	v40 =	vsel vm0, v40, v1;
	v37 =	vand.u32 $0xF, v60  }
0x20: {  	v61 =	vand.u32 $0xF, v46;
	v46 =	vunpack.c.0.s8.s32 v63;
	v2 =	vcombine.low v2, v37  }
0x21: {  	v47 =	vunpack.c.0.s8.s32 v51;
	v41 =	vunpack.c.0.s8.s32 v41;
	[tilespmem:$0x1FEC0] =	vst v40;
	v40 =	vsel vm1, v61, v33  }
0x22: {  	v51 =	vimm.s32 $0xC0B0A09;
	v48 =	vimm.s32 $0x54329876;
	[tilespmem:$0x1FF00] =	vst v2;
	v2 =	vsel vm2, v46, v40  }
0x23: {  	s0 =	rddreg [dreg:$0x0];
	v49 =	vand.u32 $0xF, v41;
	v40 =	vunpack.c.0.s8.s32 v51;
	[tilespmem:$0x1FF10] =	vst v2;
	v2 =	vunpack.c.l.s4.s8 v48  }
0x24: {  	s4 =	rddreg [dreg:$0x1];
	[tilespmem:$0x1FEF0] =	vst v33;
	v59 =	vsel vm0, v47, v38;
	v52 =	vimm.s32 $0x6543A987;
	v1 =	vsel vm1, v49, v1  }
0x25: {  	s2 =	rddreg [dreg:$0x2];
	s3 =	simm.s32 $0x0;
	[tilespmem:$0x1FED0] =	vst v59;
	v41 =	vunpack.c.l.s4.s8 v52;
	v1 =	vsel vm2, v40, v1;
	v2 =	vunpack.c.0.s8.s32 v2  }
0x26: {  	[smem:$0x7FF] =	sst s3;
	v62 =	vimm.s32 $0xE0D0C0B;
	v0 =	vsel vm0, v42, v0;
	v47 =	vadd.s32 $0x2E, v3;
	[tilespmem:$0x1FF20] =	vst v1  }
0x27: {  	s1 =	rddreg [dreg:$0x3];
	v59 =	vimm.s32 $0x6050403;
	_ =	strace $0x80000047;
	[tilespmem:$0x1FF30] =	vst v42;
	v1 =	vand.u32 $0xF, v2;
	v2 =	vunpack.c.0.s8.s32 v41  }
0x28: {  	v61 =	vimm.s32 $0xD0C0B0A;
	v33 =	vadd.s32 $0x27, v3;
	v40 =	vunpack.c.0.s8.s32 v62;
	[tilespmem:$0x1FF40] =	vst v0  }
0x29: {  	[tilespmem:$0x1FF60] =	vst v43;
	v1 =	vsel vm1, v1, v38;
	v38 =	vunpack.c.0.s8.s32 v61;
	v2 =	vand.u32 $0xF, v2  }
0x2a: {  	v63 =	vunpack.c.0.s8.s32 v59;
	v60 =	vimm.s32 $0xA9876543;
	[tilespmem:$0x1FFA0] =	vst v33;
	v2 =	vsel vm1, v2, v43  }
0x2b: {  	[tilespmem:$0x1FFC0] =	vst v32;
	v52 =	vsel vm2, v38, v1;
	v38 =	vsel vm2, v40, v2;
	v2 =	vimm.s32 $0x3E3D3C3B  }
0x2c: {  	v48 =	vadd.s32 $0x2F, v3;
	[tilespmem:$0x1FFD0] =	vst v47;
	v1 =	vimm.s32 $0x76543210;
	v0 =	vunpack.c.0.s8.s32 v2  }
0x2d: {  	v53 =	vadd.s32 $0x1F, v3;
	v37 =	vunpack.c.l.s4.s8 v60;
	[tilespmem:$0x1FFE0] =	vst v48;
	v1 =	vunpack.c.l.s4.s8 v1  }
0x2e: {  	s5 =	srdreg.scid;
	v54 =	vor.u32 $0x20, v3;
	v55 =	vadd.s32 $0x21, v3;
	[tilespmem:$0x1FF50] =	vst v0;
	v0 =	vsel vm0, v63, v43  }
0x2f: {  	s9 =	simm.s32 $0x1;
	s6 =	sand.u32 $0x1, s5;
	v49 =	vor.u32 $0x30, v3;
	v37 =	vunpack.c.0.s8.s32 v37;
	[tilespmem:$0x1FF70] =	vst v0;
	v0 =	vunpack.c.0.s8.s32 v1  }
0x30: {  	s10 =	simm.s32 $0x2;
	s11 =	simm.s32 $0x0;
	v56 =	vadd.s32 $0x22, v3;
	v57 =	vadd.s32 $0x23, v3;
	v58 =	vadd.s32 $0x24, v3;
	s7 =	ssub.s32 $0x2, s6;
	[tilespmem:$0x1FFF0] =	vst v49  }
0x31: {  	v34 =	vadd.s32 $0x25, v3;
	v35 =	vadd.s32 $0x26, v3;
	s5 =	sadd.s32 $0x1200, s4;
	s4 =	stileid.u32;
	s8 =	sshrl.u32 s7, $0x1;
	[tilespmem:$0x1FF80] =	vst v0;
	v0 =	vand.u32 $0xF, v37  }
0x32: {  	s31 =	sshll.u32 s4, $0x3;
	s6 =	sshll.u32 s6, $0x2;
	s7 =	ssub.s32 s7, s8;
	v46 =	vadd.s32 $0x2D, v3;
	v42 =	vadd.s32 $0x2B, v3;
	v37 =	vadd.s32 $0x28, v3;
	[tilespmem:$0x1FF90] =	vst v0  }
0x33: {  	s6 =	sor.u32 s6, s31;
	s8 =	simm.s32 $0x3;
	s7 =	smax.u32 s7, $0x1;
	v41 =	vadd.s32 $0x2A, v3;
	v40 =	vadd.s32 $0x29, v3;
	v43 =	vadd.s32 $0x2C, v3;
	[tilespmem:$0x1FFB0] =	vst v37  }
.LBB2_1:
0x34: {  	[tilespmem:s3], [sflag:$0x3] =	stream.linear.gather [hbm4b:s5+s3], $0x2000, $0x38;
	[tilespmem:$0x12200] =	vst v63  }
0x35: {  	_ =	swait.ge [sflag:s8], $0x2000  }
0x36: {  	[sflag:s8] =	ssyncset.done $0x0  }
0x37: {  	s12 =	simm.s32 $0x0;
	[sflag:s8] =	ssyncadd.s32 $0xFFFFE000  }
.LBB2_2:
0x38: {  	s13 =	sand.u32 $0x1, s12;
	p0 =	slt.u32 s12, $0x2;
	s14 =	sadd.s32 s6, s12  }
0x39: {  	s15 =	sadd.s32 @!p0 $0x1, s13;
	s14 =	sshll.u32 s14, $0x9  }
0x3a: {  	_ =	swait.ge @!p0 [sflag:s15], $0x8000;
	s14 =	smin.u32 s14, $0xC150  }
0x3b: {  	s17 =	simm.s32 $0x0;
	[sflag:s15] =	ssyncset.done @!p0 $0x0;
	s30 =	sshrl.u32 s14, $0x3  }
0x3c: {  	[sflag:s15] =	ssyncadd.s32 @!p0 $0xFFFF8000;
	s16 =	sadd.s32 s0, s30;
	s15 =	simm.s32 $0x2000  }
0x3d: {  	[tilespmem:s15], [sflag:$0x3] =	stream.linear.gather [hbm4b:s16+s17], $0x200, $0x38;
	[tilespmem:$0x12200] =	vst v63  }
0x3e: {  	_ =	swait.ge [sflag:s8], $0x200  }
0x3f: {  	[sflag:s8] =	ssyncset.done $0x0  }
0x40: {  	[sflag:s8] =	ssyncadd.s32 $0xFFFFFE00  }
0x41: {  	v0 =	vld [tilespmem:s15+$0x0];
	_ =	sdelay $0x4  }
0x42: {  	v2 =	vshll.u32 v0, $0x6  }
0x43: {  	v0 =	vor.u32 v3, v2  }
0x44: {  	v59 =	vor.u32 v8, v2;
	_ =	sdelay $0x2  }
0x45: {  	v1 =	vmov s17  }
0x46: {  	v1 =	vshll.u32 v1, $0x6;
	v61 =	vor.u32 v10, v2;
	v51 =	vld.idx.msk [tilespmem:v0+s3+$0x0], $0xffff  }
0x47: {  	v1 =	vor.u32 v7, v1;
	v60 =	vor.u32 v9, v2;
	v0 =	vld.idx.msk [tilespmem:v59+s3+$0x0], $0xffff  }
0x48: {  	v62 =	vor.u32 v3, v1;
	_ =	sdelay $0x2  }
0x49: {  	s31 =	sshll.u32 s13, $0xF;
	v61 =	vld.idx.msk [tilespmem:v61+s3+$0x0], $0xffff  }
0x4a: {  	s16 =	sor.u32 $0x2200, s31;
	[tilespmem:$0x1FC60] =	vst v0;
	v0 =	vld.idx.msk [tilespmem:v60+s3+$0x0], $0xffff  }
0x4b: {  	v63 =	vor.u32 v8, v1;
	[tilespmem:v62+s16+$0x0] =	vst.idx.msk $0xffff, v51;
	v51 =	vld [tilespmem:$0x1FC60];
	_ =	sdelay $0x3  }
0x4c: {  	[tilespmem:$0x1FC70] =	vst v0  }
0x4d: {  	v60 =	vor.u32 v9, v1;
	[tilespmem:v63+s16+$0x0] =	vst.idx.msk $0xffff, v51;
	v51 =	vld [tilespmem:$0x1FC70]  }
0x4e: {  	v59 =	vor.u32 v10, v1  }
0x4f: {  	v0 =	vor.u32 v4, v2  }
0x50: {  	v62 =	vor.u32 v5, v2;
	_ =	sdelay $0x1  }
0x51: {  	[tilespmem:v60+s16+$0x0] =	vst.idx.msk $0xffff, v51  }
0x52: {  	[tilespmem:v59+s16+$0x0] =	vst.idx.msk $0xffff, v61  }
0x53: {  	v63 =	vor.u32 v6, v2;
	v51 =	vld.idx.msk [tilespmem:v0+s3+$0x0], $0xffff  }
0x54: {  	v60 =	vor.u32 v11, v2;
	v0 =	vld.idx.msk [tilespmem:v62+s3+$0x0], $0xffff  }
0x55: {  	v59 =	vor.u32 v4, v1;
	_ =	sdelay $0x2  }
0x56: {  	v63 =	vld.idx.msk [tilespmem:v63+s3+$0x0], $0xffff  }
0x57: {  	v60 =	vld.idx.msk [tilespmem:v60+s3+$0x0], $0xffff;
	[tilespmem:$0x1FC80] =	vst v0  }
0x58: {  	v62 =	vor.u32 v5, v1;
	[tilespmem:v59+s16+$0x0] =	vst.idx.msk $0xffff, v51;
	v51 =	vld [tilespmem:$0x1FC80]  }
0x59: {  	v0 =	vor.u32 v6, v1;
	_ =	sdelay $0x2  }
0x5a: {  	[tilespmem:$0x1FC90] =	vst v60  }
0x5b: {  	[tilespmem:v62+s16+$0x0] =	vst.idx.msk $0xffff, v51  }
0x5c: {  	v60 =	vor.u32 v11, v1;
	[tilespmem:v0+s16+$0x0] =	vst.idx.msk $0xffff, v63;
	v63 =	vld [tilespmem:$0x1FC90]  }
0x5d: {  	v59 =	vor.u32 v13, v2  }
0x5e: {  	v61 =	vor.u32 v12, v2;
	_ =	sdelay $0x2  }
0x5f: {  	v62 =	vor.u32 v14, v2;
	[tilespmem:v60+s16+$0x0] =	vst.idx.msk $0xffff, v63  }
0x60: {  	v0 =	vor.u32 v15, v2;
	v59 =	vld.idx.msk [tilespmem:v59+s3+$0x0], $0xffff  }
0x61: {  	v51 =	vld.idx.msk [tilespmem:v61+s3+$0x0], $0xffff;
	v61 =	vor.u32 v12, v1;
	_ =	sdelay $0x2  }
0x62: {  	v62 =	vld.idx.msk [tilespmem:v62+s3+$0x0], $0xffff  }
0x63: {  	v0 =	vld.idx.msk [tilespmem:v0+s3+$0x0], $0xffff;
	[tilespmem:$0x1FCA0] =	vst v59  }
0x64: {  	v63 =	vor.u32 v13, v1;
	[tilespmem:v61+s16+$0x0] =	vst.idx.msk $0xffff, v51;
	v51 =	vld [tilespmem:$0x1FCA0]  }
0x65: {  	v59 =	vor.u32 v14, v1;
	_ =	sdelay $0x2  }
0x66: {  	[tilespmem:$0x1FCB0] =	vst v0  }
0x67: {  	[tilespmem:v63+s16+$0x0] =	vst.idx.msk $0xffff, v51  }
0x68: {  	v0 =	vor.u32 v15, v1;
	[tilespmem:v59+s16+$0x0] =	vst.idx.msk $0xffff, v62;
	v62 =	vld [tilespmem:$0x1FCB0]  }
0x69: {  	v61 =	vor.u32 v17, v2  }
0x6a: {  	v60 =	vor.u32 v16, v2;
	_ =	sdelay $0x2  }
0x6b: {  	v63 =	vor.u32 v18, v2;
	[tilespmem:v0+s16+$0x0] =	vst.idx.msk $0xffff, v62  }
0x6c: {  	v59 =	vor.u32 v19, v2;
	v0 =	vld.idx.msk [tilespmem:v61+s3+$0x0], $0xffff  }
0x6d: {  	v51 =	vld.idx.msk [tilespmem:v60+s3+$0x0], $0xffff;
	v60 =	vor.u32 v16, v1;
	_ =	sdelay $0x2  }
0x6e: {  	v63 =	vld.idx.msk [tilespmem:v63+s3+$0x0], $0xffff  }
0x6f: {  	v59 =	vld.idx.msk [tilespmem:v59+s3+$0x0], $0xffff;
	[tilespmem:$0x1FCC0] =	vst v0  }
0x70: {  	v62 =	vor.u32 v17, v1;
	[tilespmem:v60+s16+$0x0] =	vst.idx.msk $0xffff, v51;
	v51 =	vld [tilespmem:$0x1FCC0]  }
0x71: {  	v0 =	vor.u32 v18, v1;
	_ =	sdelay $0x2  }
0x72: {  	[tilespmem:$0x1FCD0] =	vst v59  }
0x73: {  	[tilespmem:v62+s16+$0x0] =	vst.idx.msk $0xffff, v51  }
0x74: {  	v59 =	vor.u32 v19, v1;
	[tilespmem:v0+s16+$0x0] =	vst.idx.msk $0xffff, v63;
	v63 =	vld [tilespmem:$0x1FCD0]  }
0x75: {  	v60 =	vor.u32 v21, v2  }
0x76: {  	v61 =	vor.u32 v20, v2;
	_ =	sdelay $0x2  }
0x77: {  	v62 =	vor.u32 v22, v2;
	[tilespmem:v59+s16+$0x0] =	vst.idx.msk $0xffff, v63  }
0x78: {  	v0 =	vor.u32 v23, v2;
	v59 =	vld.idx.msk [tilespmem:v60+s3+$0x0], $0xffff  }
0x79: {  	v51 =	vld.idx.msk [tilespmem:v61+s3+$0x0], $0xffff;
	v61 =	vor.u32 v20, v1;
	_ =	sdelay $0x2  }
0x7a: {  	v62 =	vld.idx.msk [tilespmem:v62+s3+$0x0], $0xffff  }
0x7b: {  	v0 =	vld.idx.msk [tilespmem:v0+s3+$0x0], $0xffff;
	[tilespmem:$0x1FCE0] =	vst v59  }
0x7c: {  	v63 =	vor.u32 v21, v1;
	[tilespmem:v61+s16+$0x0] =	vst.idx.msk $0xffff, v51;
	v51 =	vld [tilespmem:$0x1FCE0]  }
0x7d: {  	v59 =	vor.u32 v22, v1;
	_ =	sdelay $0x2  }
0x7e: {  	[tilespmem:$0x1FCF0] =	vst v0  }
0x7f: {  	[tilespmem:v63+s16+$0x0] =	vst.idx.msk $0xffff, v51  }
0x80: {  	v0 =	vor.u32 v23, v1;
	[tilespmem:v59+s16+$0x0] =	vst.idx.msk $0xffff, v62;
	v62 =	vld [tilespmem:$0x1FCF0]  }
0x81: {  	v61 =	vor.u32 v25, v2  }
0x82: {  	v60 =	vor.u32 v24, v2;
	_ =	sdelay $0x2  }
0x83: {  	v63 =	vor.u32 v26, v2;
	[tilespmem:v0+s16+$0x0] =	vst.idx.msk $0xffff, v62  }
0x84: {  	v59 =	vor.u32 v27, v2;
	v0 =	vld.idx.msk [tilespmem:v61+s3+$0x0], $0xffff  }
0x85: {  	v51 =	vld.idx.msk [tilespmem:v60+s3+$0x0], $0xffff;
	v60 =	vor.u32 v24, v1;
	_ =	sdelay $0x2  }
0x86: {  	v63 =	vld.idx.msk [tilespmem:v63+s3+$0x0], $0xffff  }
0x87: {  	v59 =	vld.idx.msk [tilespmem:v59+s3+$0x0], $0xffff;
	[tilespmem:$0x1FD00] =	vst v0  }
0x88: {  	v62 =	vor.u32 v25, v1;
	[tilespmem:v60+s16+$0x0] =	vst.idx.msk $0xffff, v51;
	v51 =	vld [tilespmem:$0x1FD00]  }
0x89: {  	v0 =	vor.u32 v26, v1;
	_ =	sdelay $0x2  }
0x8a: {  	[tilespmem:$0x1FD10] =	vst v59  }
0x8b: {  	[tilespmem:v62+s16+$0x0] =	vst.idx.msk $0xffff, v51  }
0x8c: {  	v59 =	vor.u32 v27, v1;
	[tilespmem:v0+s16+$0x0] =	vst.idx.msk $0xffff, v63;
	v63 =	vld [tilespmem:$0x1FD10]  }
0x8d: {  	v60 =	vor.u32 v29, v2  }
0x8e: {  	v61 =	vor.u32 v28, v2;
	_ =	sdelay $0x2  }
0x8f: {  	v62 =	vor.u32 v30, v2;
	[tilespmem:v59+s16+$0x0] =	vst.idx.msk $0xffff, v63  }
0x90: {  	v0 =	vor.u32 v31, v2;
	v59 =	vld.idx.msk [tilespmem:v60+s3+$0x0], $0xffff  }
0x91: {  	v51 =	vld.idx.msk [tilespmem:v61+s3+$0x0], $0xffff;
	v61 =	vor.u32 v28, v1;
	_ =	sdelay $0x2  }
0x92: {  	v62 =	vld.idx.msk [tilespmem:v62+s3+$0x0], $0xffff  }
0x93: {  	v0 =	vld.idx.msk [tilespmem:v0+s3+$0x0], $0xffff;
	[tilespmem:$0x1FD20] =	vst v59  }
0x94: {  	v63 =	vor.u32 v29, v1;
	[tilespmem:v61+s16+$0x0] =	vst.idx.msk $0xffff, v51;
	v51 =	vld [tilespmem:$0x1FD20]  }
0x95: {  	v59 =	vor.u32 v30, v1;
	_ =	sdelay $0x2  }
0x96: {  	[tilespmem:$0x1FD30] =	vst v0  }
0x97: {  	[tilespmem:v63+s16+$0x0] =	vst.idx.msk $0xffff, v51  }
0x98: {  	v0 =	vor.u32 v31, v1;
	[tilespmem:v59+s16+$0x0] =	vst.idx.msk $0xffff, v62;
	v62 =	vld [tilespmem:$0x1FD30]  }
0x99: {  	v61 =	vor.u32 v45, v2  }
0x9a: {  	v60 =	vor.u32 v44, v2;
	_ =	sdelay $0x2  }
0x9b: {  	v63 =	vor.u32 v50, v2;
	[tilespmem:v0+s16+$0x0] =	vst.idx.msk $0xffff, v62  }
0x9c: {  	v59 =	vor.u32 v53, v2;
	v0 =	vld.idx.msk [tilespmem:v61+s3+$0x0], $0xffff  }
0x9d: {  	v51 =	vld.idx.msk [tilespmem:v60+s3+$0x0], $0xffff;
	v60 =	vor.u32 v44, v1;
	_ =	sdelay $0x2  }
0x9e: {  	v63 =	vld.idx.msk [tilespmem:v63+s3+$0x0], $0xffff  }
0x9f: {  	v59 =	vld.idx.msk [tilespmem:v59+s3+$0x0], $0xffff;
	[tilespmem:$0x1FD40] =	vst v0  }
0xa0: {  	v62 =	vor.u32 v45, v1;
	[tilespmem:v60+s16+$0x0] =	vst.idx.msk $0xffff, v51;
	v51 =	vld [tilespmem:$0x1FD40]  }
0xa1: {  	v0 =	vor.u32 v50, v1;
	_ =	sdelay $0x2  }
0xa2: {  	[tilespmem:$0x1FD50] =	vst v59  }
0xa3: {  	[tilespmem:v62+s16+$0x0] =	vst.idx.msk $0xffff, v51  }
0xa4: {  	v59 =	vor.u32 v53, v1;
	[tilespmem:v0+s16+$0x0] =	vst.idx.msk $0xffff, v63;
	v63 =	vld [tilespmem:$0x1FD50]  }
0xa5: {  	v60 =	vor.u32 v55, v2  }
0xa6: {  	v61 =	vor.u32 v54, v2;
	_ =	sdelay $0x2  }
0xa7: {  	v62 =	vor.u32 v56, v2;
	[tilespmem:v59+s16+$0x0] =	vst.idx.msk $0xffff, v63  }
0xa8: {  	v0 =	vor.u32 v57, v2;
	v59 =	vld.idx.msk [tilespmem:v60+s3+$0x0], $0xffff  }
0xa9: {  	v51 =	vld.idx.msk [tilespmem:v61+s3+$0x0], $0xffff;
	v61 =	vor.u32 v54, v1;
	_ =	sdelay $0x2  }
0xaa: {  	v62 =	vld.idx.msk [tilespmem:v62+s3+$0x0], $0xffff  }
0xab: {  	v0 =	vld.idx.msk [tilespmem:v0+s3+$0x0], $0xffff;
	[tilespmem:$0x1FD60] =	vst v59  }
0xac: {  	v63 =	vor.u32 v55, v1;
	[tilespmem:v61+s16+$0x0] =	vst.idx.msk $0xffff, v51;
	v51 =	vld [tilespmem:$0x1FD60]  }
0xad: {  	v59 =	vor.u32 v56, v1;
	_ =	sdelay $0x2  }
0xae: {  	[tilespmem:$0x1FD70] =	vst v0  }
0xaf: {  	[tilespmem:v63+s16+$0x0] =	vst.idx.msk $0xffff, v51  }
0xb0: {  	v0 =	vor.u32 v57, v1;
	[tilespmem:v59+s16+$0x0] =	vst.idx.msk $0xffff, v62;
	v62 =	vld [tilespmem:$0x1FD70]  }
0xb1: {  	v61 =	vor.u32 v34, v2  }
0xb2: {  	v60 =	vor.u32 v58, v2;
	_ =	sdelay $0x2  }
0xb3: {  	v63 =	vor.u32 v35, v2;
	[tilespmem:v0+s16+$0x0] =	vst.idx.msk $0xffff, v62  }
0xb4: {  	v59 =	vor.u32 v33, v2;
	v0 =	vld.idx.msk [tilespmem:v61+s3+$0x0], $0xffff  }
0xb5: {  	v51 =	vld.idx.msk [tilespmem:v60+s3+$0x0], $0xffff;
	v60 =	vor.u32 v58, v1;
	_ =	sdelay $0x2  }
0xb6: {  	v63 =	vld.idx.msk [tilespmem:v63+s3+$0x0], $0xffff  }
0xb7: {  	v59 =	vld.idx.msk [tilespmem:v59+s3+$0x0], $0xffff;
	[tilespmem:$0x1FD80] =	vst v0  }
0xb8: {  	v62 =	vor.u32 v34, v1;
	[tilespmem:v60+s16+$0x0] =	vst.idx.msk $0xffff, v51;
	v51 =	vld [tilespmem:$0x1FD80]  }
0xb9: {  	v0 =	vor.u32 v35, v1;
	_ =	sdelay $0x2  }
0xba: {  	[tilespmem:$0x1FD90] =	vst v59  }
0xbb: {  	[tilespmem:v62+s16+$0x0] =	vst.idx.msk $0xffff, v51  }
0xbc: {  	v59 =	vor.u32 v33, v1;
	[tilespmem:v0+s16+$0x0] =	vst.idx.msk $0xffff, v63;
	v63 =	vld [tilespmem:$0x1FD90]  }
0xbd: {  	v61 =	vor.u32 v37, v2  }
0xbe: {  	v60 =	vor.u32 v40, v2  }
0xbf: {  	v51 =	vor.u32 v41, v2  }
0xc0: {  	v0 =	vor.u32 v42, v2  }
0xc1: {  	[tilespmem:v59+s16+$0x0] =	vst.idx.msk $0xffff, v63  }
0xc2: {  	v33 =	vld.idx.msk [tilespmem:v61+s3+$0x0], $0xffff;
	v61 =	vor.u32 v37, v1  }
0xc3: {  	v63 =	vor.u32 v40, v1;
	v37 =	vld.idx.msk [tilespmem:v60+s3+$0x0], $0xffff  }
0xc4: {  	v59 =	vor.u32 v41, v1;
	v62 =	vld.idx.msk [tilespmem:v51+s3+$0x0], $0xffff  }
0xc5: {  	v51 =	vld.idx.msk [tilespmem:v0+s3+$0x0], $0xffff;
	v0 =	vor.u32 v42, v1  }
0xc6: {  	v60 =	vor.u32 v43, v2  }
0xc7: {  	[tilespmem:v61+s16+$0x0] =	vst.idx.msk $0xffff, v33;
	v33 =	vor.u32 v47, v2  }
0xc8: {  	v61 =	vor.u32 v46, v2;
	[tilespmem:v63+s16+$0x0] =	vst.idx.msk $0xffff, v37  }
0xc9: {  	[tilespmem:v59+s16+$0x0] =	vst.idx.msk $0xffff, v62  }
0xca: {  	[tilespmem:v0+s16+$0x0] =	vst.idx.msk $0xffff, v51  }
0xcb: {  	v37 =	vor.u32 v48, v2;
	v0 =	vld.idx.msk [tilespmem:v60+s3+$0x0], $0xffff;
	v60 =	vor.u32 v43, v1  }
0xcc: {  	v33 =	vld.idx.msk [tilespmem:v33+s3+$0x0], $0xffff  }
0xcd: {  	v62 =	vor.u32 v46, v1;
	v51 =	vld.idx.msk [tilespmem:v61+s3+$0x0], $0xffff;
	_ =	sdelay $0x2  }
0xce: {  	v59 =	vld.idx.msk [tilespmem:v37+s3+$0x0], $0xffff;
	[tilespmem:v60+s16+$0x0] =	vst.idx.msk $0xffff, v0  }
0xcf: {  	[tilespmem:$0x1FDA0] =	vst v33  }
0xd0: {  	v61 =	vor.u32 v47, v1;
	[tilespmem:v62+s16+$0x0] =	vst.idx.msk $0xffff, v51;
	v51 =	vld [tilespmem:$0x1FDA0]  }
0xd1: {  	v63 =	vor.u32 v48, v1  }
0xd2: {  	v0 =	vor.u32 v36, v2  }
0xd3: {  	v47 =	vor.u32 v49, v2  }
0xd4: {  	v48 =	vld [tilespmem:$0x1FF60];
	[tilespmem:$0x1FDB0] =	vst v47  }
0xd5: {  	v37 =	vld [tilespmem:$0x1FF50];
	[tilespmem:v61+s16+$0x0] =	vst.idx.msk $0xffff, v51  }
0xd6: {  	v47 =	vld [tilespmem:$0x1FF40];
	[tilespmem:v63+s16+$0x0] =	vst.idx.msk $0xffff, v59  }
0xd7: {  	v63 =	vor.u32 v49, v1;
	v49 =	vld.idx.msk [tilespmem:v0+s3+$0x0], $0xffff;
	v0 =	vor.u32 v36, v1  }
0xd8: {  	v62 =	vld [tilespmem:$0x1FE80];
	[tilespmem:$0x1FDD0] =	vst v0;
	v0 =	vor.u32 v32, v1  }
0xd9: {  	[tilespmem:$0x1FDE0] =	vst v0;
	v0 =	vld [tilespmem:$0x1FE70];
	_ =	sdelay $0x1  }
0xda: {  	v48 =	vsel vm0, v48, v37  }
0xdb: {  	v33 =	vcombine.low v47, v48;
	_ =	sdelay $0x1  }
0xdc: {  	v47 =	vsel vm0, v62, v0;
	v0 =	vor.u32 v33, v1  }
0xdd: {  	[tilespmem:$0x1FDF0] =	vst v0;
	v0 =	vld [tilespmem:$0x1FEC0];
	_ =	sdelay $0x3  }
0xde: {  	v62 =	vld [tilespmem:$0x1FEA0]  }
0xdf: {  	[tilespmem:$0x1FDC0] =	vst v33;
	v61 =	vor.u32 v33, v2;
	v33 =	vcombine.low v47, v0;
	v0 =	vld [tilespmem:$0x1FE90];
	_ =	sdelay $0x4  }
0xe0: {  	v47 =	vsel vm0, v62, v0;
	v0 =	vor.u32 v39, v2  }
0xe1: {  	[tilespmem:$0x1FE00] =	vst v0;
	v0 =	vld [tilespmem:$0x1FED0];
	_ =	sdelay $0x1  }
0xe2: {  	v59 =	vld [tilespmem:$0x1FDB0];
	_ =	sdelay $0x2  }
0xe3: {  	v47 =	vcombine.low v47, v0;
	v0 =	vld [tilespmem:$0x1FF30]  }
0xe4: {  	v62 =	vld [tilespmem:$0x1FF70];
	_ =	sdelay $0x2  }
0xe5: {  	v60 =	vor.u32 v32, v2  }
0xe6: {  	v59 =	vld.idx.msk [tilespmem:v59+s3+$0x0], $0xffff;
	v0 =	vsel vm0, v37, v0  }
0xe7: {  	v37 =	vcombine.low v0, v62;
	v0 =	vld [tilespmem:$0x1FDD0];
	_ =	sdelay $0x2  }
0xe8: {  	v51 =	vld.idx.msk [tilespmem:v60+s3+$0x0], $0xffff  }
0xe9: {  	v61 =	vld.idx.msk [tilespmem:v61+s3+$0x0], $0xffff  }
0xea: {  	[tilespmem:v63+s16+$0x0] =	vst.idx.msk $0xffff, v59;
	v63 =	vld [tilespmem:$0x1FDE0];
	_ =	sdelay $0x2  }
0xeb: {  	[tilespmem:v0+s16+$0x0] =	vst.idx.msk $0xffff, v49;
	v49 =	vld [tilespmem:$0x1FDF0];
	_ =	sdelay $0x3  }
0xec: {  	v59 =	vor.u32 v33, v2  }
0xed: {  	[tilespmem:v63+s16+$0x0] =	vst.idx.msk $0xffff, v51;
	v51 =	vld [tilespmem:$0x1FE00];
	_ =	sdelay $0x2  }
0xee: {  	v60 =	vld [tilespmem:$0x1FEB0];
	[tilespmem:v49+s16+$0x0] =	vst.idx.msk $0xffff, v61  }
0xef: {  	v49 =	vld.idx.msk [tilespmem:v59+s3+$0x0], $0xffff  }
0xf0: {  	v0 =	vor.u32 v47, v2;
	v59 =	vld [tilespmem:$0x1FEF0];
	_ =	sdelay $0x1  }
0xf1: {  	v62 =	vor.u32 v37, v2  }
0xf2: {  	v63 =	vor.u32 v39, v1;
	v51 =	vld.idx.msk [tilespmem:v51+s3+$0x0], $0xffff  }
0xf3: {  	[tilespmem:$0x1FE10] =	vst v33;
	v61 =	vor.u32 v33, v1  }
0xf4: {  	[tilespmem:$0x1FE20] =	vst v47;
	v33 =	vsel vm0, v59, v60;
	v59 =	vld.idx.msk [tilespmem:v0+s3+$0x0], $0xffff;
	v0 =	vor.u32 v47, v1  }
0xf5: {  	[tilespmem:$0x1FE40] =	vst v0;
	v0 =	vld [tilespmem:$0x1FF80]  }
0xf6: {  	[tilespmem:$0x1FE30] =	vst v37;
	v47 =	vld.idx.msk [tilespmem:v62+s3+$0x0], $0xffff  }
0xf7: {  	v60 =	vor.u32 v37, v1;
	[tilespmem:v63+s16+$0x0] =	vst.idx.msk $0xffff, v51;
	v37 =	vld [tilespmem:$0x1FF00]  }
0xf8: {  	[tilespmem:v61+s16+$0x0] =	vst.idx.msk $0xffff, v49;
	v61 =	vld [tilespmem:$0x1FE40];
	_ =	sdelay $0x1  }
0xf9: {  	v32 =	vcombine.low v33, v0;
	v33 =	vld [tilespmem:$0x1FEE0]  }
0xfa: {  	v0 =	vld [tilespmem:$0x1FF90];
	_ =	sdelay $0x1  }
0xfb: {  	v49 =	vor.u32 v37, v2;
	_ =	sdelay $0x1  }
0xfc: {  	v62 =	vor.u32 v32, v2  }
0xfd: {  	[tilespmem:v61+s16+$0x0] =	vst.idx.msk $0xffff, v59;
	v63 =	vor.u32 v33, v2;
	v0 =	vcombine.low v48, v0  }
0xfe: {  	v51 =	vld [tilespmem:$0x1FF20];
	[tilespmem:v60+s16+$0x0] =	vst.idx.msk $0xffff, v47  }
0xff: {  	v60 =	vor.u32 v33, v1;
	v33 =	vld.idx.msk [tilespmem:v49+s3+$0x0], $0xffff;
	v48 =	vor.u32 v0, v2  }
0x100: {  	v49 =	vld [tilespmem:$0x1FF10]  }
0x101: {  	v59 =	vor.u32 v32, v1;
	v47 =	vld.idx.msk [tilespmem:v62+s3+$0x0], $0xffff  }
0x102: {  	[tilespmem:$0x1FE50] =	vst v32;
	v32 =	vld.idx.msk [tilespmem:v63+s3+$0x0], $0xffff  }
0x103: {  	v61 =	vor.u32 v37, v1  }
0x104: {  	[tilespmem:$0x1FE60] =	vst v0;
	v0 =	vor.u32 v0, v1;
	v62 =	vld.idx.msk [tilespmem:v48+s3+$0x0], $0xffff  }
0x105: {  	v63 =	vor.u32 v49, v2  }
0x106: {  	[tilespmem:v59+s16+$0x0] =	vst.idx.msk $0xffff, v47;
	v59 =	vor.u32 v51, v2  }
0x107: {  	[tilespmem:v60+s16+$0x0] =	vst.idx.msk $0xffff, v32;
	v60 =	vor.u32 v52, v2  }
0x108: {  	[tilespmem:v61+s16+$0x0] =	vst.idx.msk $0xffff, v33  }
0x109: {  	v2 =	vor.u32 v38, v2;
	[tilespmem:v0+s16+$0x0] =	vst.idx.msk $0xffff, v62  }
0x10a: {  	v61 =	vor.u32 v49, v1;
	v0 =	vld.idx.msk [tilespmem:v63+s3+$0x0], $0xffff  }
0x10b: {  	v62 =	vor.u32 v51, v1;
	v33 =	vld.idx.msk [tilespmem:v59+s3+$0x0], $0xffff  }
0x10c: {  	v37 =	vmovc v34;
	v34 =	vmovc v26;
	v26 =	vmov v18;
	v18 =	vmov v6;
	v63 =	vor.u32 v52, v1;
	v32 =	vld.idx.msk [tilespmem:v60+s3+$0x0], $0xffff  }
0x10d: {  	v1 =	vor.u32 v38, v1;
	v59 =	vmovc v40;
	v40 =	vmovc v36;
	v36 =	vmov v28;
	v28 =	vmov v20  }
0x10e: {  	v20 =	vmovc v12;
	v2 =	vld.idx.msk [tilespmem:v2+s3+$0x0], $0xffff;
	v60 =	vmovc v46;
	v46 =	vmov v39;
	v39 =	vmov v29;
	v29 =	vmov v21  }
0x10f: {  	v21 =	vmovc v13;
	[tilespmem:v61+s16+$0x0] =	vst.idx.msk $0xffff, v0;
	v61 =	vmovc v41;
	v41 =	vmov v38;
	v38 =	vmov v35;
	v35 =	vmov v27  }
0x110: {  	v27 =	vmovc v19;
	v19 =	vmovc v11;
	[tilespmem:v62+s16+$0x0] =	vst.idx.msk $0xffff, v33;
	v33 =	vmov v25;
	v25 =	vmov v17;
	v17 =	vmov v5  }
0x111: {  	v62 =	vmovc v42;
	v42 =	vmovc v30;
	v30 =	vmov v22;
	v22 =	vmov v14;
	[tilespmem:v63+s16+$0x0] =	vst.idx.msk $0xffff, v32;
	v32 =	vmov v24  }
0x112: {  	s17 =	simm.s32 $0x10;
	v24 =	vmovc v16;
	v16 =	vmovc v4;
	v63 =	vmov v43;
	v43 =	vmov v23;
	v23 =	vmov v15  }
.LBB2_3:
0x113: {  	_ =	sdelay $0x3  }
0x114: {  	s15 =	sadd.s32 $0x10, s15;
	[tilespmem:v1+s16+$0x0] =	vst.idx.msk $0xffff, v2  }
0x115: {  	v1 =	vld [tilespmem:s15+$0x0];
	_ =	sdelay $0x4  }
0x116: {  	v2 =	vshll.u32 v1, $0x6  }
0x117: {  	v3 =	vor.u32 v3, v2  }
0x118: {  	s18 =	smov.u32 s17;
	v4 =	vor.u32 v8, v2  }
0x119: {  	v1 =	vmov s18;
	v5 =	vor.u32 v9, v2  }
0x11a: {  	v6 =	vor.u32 v10, v2;
	v1 =	vshll.u32 v1, $0x6  }
0x11b: {  	v12 =	vmov v7;
	v1 =	vor.u32 v7, v1;
	v7 =	vlaneseq.u32  }
0x11c: {  	v7 =	vor.u32 v7, v1;
	v3 =	vld.idx.msk [tilespmem:v3+s3+$0x0], $0xffff  }
0x11d: {  	v13 =	vmov v8;
	v8 =	vor.u32 v8, v1;
	v4 =	vld.idx.msk [tilespmem:v4+s3+$0x0], $0xffff  }
0x11e: {  	v14 =	vmov v9;
	v9 =	vor.u32 v9, v1;
	v5 =	vld.idx.msk [tilespmem:v5+s3+$0x0], $0xffff  }
0x11f: {  	v15 =	vmov v10;
	v10 =	vor.u32 v10, v1;
	v6 =	vld.idx.msk [tilespmem:v6+s3+$0x0], $0xffff  }
0x120: {  	v11 =	vor.u32 v16, v2  }
0x121: {  	[tilespmem:v7+s16+$0x0] =	vst.idx.msk $0xffff, v3;
	v3 =	vor.u32 v17, v2  }
0x122: {  	[tilespmem:v8+s16+$0x0] =	vst.idx.msk $0xffff, v4;
	v4 =	vor.u32 v18, v2  }
0x123: {  	[tilespmem:v9+s16+$0x0] =	vst.idx.msk $0xffff, v5;
	v5 =	vor.u32 v19, v2  }
0x124: {  	[tilespmem:v10+s16+$0x0] =	vst.idx.msk $0xffff, v6  }
0x125: {  	v7 =	vor.u32 v16, v1;
	v6 =	vld.idx.msk [tilespmem:v11+s3+$0x0], $0xffff  }
0x126: {  	v8 =	vor.u32 v17, v1;
	v3 =	vld.idx.msk [tilespmem:v3+s3+$0x0], $0xffff  }
0x127: {  	v9 =	vor.u32 v18, v1;
	v4 =	vld.idx.msk [tilespmem:v4+s3+$0x0], $0xffff  }
0x128: {  	v10 =	vor.u32 v19, v1;
	v5 =	vld.idx.msk [tilespmem:v5+s3+$0x0], $0xffff  }
0x129: {  	v11 =	vor.u32 v20, v2  }
0x12a: {  	[tilespmem:v7+s16+$0x0] =	vst.idx.msk $0xffff, v6;
	v6 =	vor.u32 v21, v2  }
0x12b: {  	[tilespmem:v8+s16+$0x0] =	vst.idx.msk $0xffff, v3;
	v3 =	vor.u32 v22, v2  }
0x12c: {  	[tilespmem:v9+s16+$0x0] =	vst.idx.msk $0xffff, v4;
	v4 =	vor.u32 v23, v2  }
0x12d: {  	[tilespmem:v10+s16+$0x0] =	vst.idx.msk $0xffff, v5  }
0x12e: {  	v7 =	vor.u32 v20, v1;
	v5 =	vld.idx.msk [tilespmem:v11+s3+$0x0], $0xffff  }
0x12f: {  	v8 =	vor.u32 v21, v1;
	v6 =	vld.idx.msk [tilespmem:v6+s3+$0x0], $0xffff  }
0x130: {  	v9 =	vor.u32 v22, v1;
	v3 =	vld.idx.msk [tilespmem:v3+s3+$0x0], $0xffff  }
0x131: {  	v10 =	vor.u32 v23, v1;
	v4 =	vld.idx.msk [tilespmem:v4+s3+$0x0], $0xffff  }
0x132: {  	v11 =	vor.u32 v24, v2  }
0x133: {  	[tilespmem:v7+s16+$0x0] =	vst.idx.msk $0xffff, v5;
	v5 =	vor.u32 v25, v2  }
0x134: {  	[tilespmem:v8+s16+$0x0] =	vst.idx.msk $0xffff, v6;
	v6 =	vor.u32 v26, v2  }
0x135: {  	[tilespmem:v9+s16+$0x0] =	vst.idx.msk $0xffff, v3;
	v3 =	vor.u32 v27, v2  }
0x136: {  	[tilespmem:v10+s16+$0x0] =	vst.idx.msk $0xffff, v4  }
0x137: {  	v7 =	vor.u32 v24, v1;
	v4 =	vld.idx.msk [tilespmem:v11+s3+$0x0], $0xffff  }
0x138: {  	v8 =	vor.u32 v25, v1;
	v5 =	vld.idx.msk [tilespmem:v5+s3+$0x0], $0xffff  }
0x139: {  	v9 =	vor.u32 v26, v1;
	v6 =	vld.idx.msk [tilespmem:v6+s3+$0x0], $0xffff  }
0x13a: {  	v10 =	vor.u32 v27, v1;
	v3 =	vld.idx.msk [tilespmem:v3+s3+$0x0], $0xffff  }
0x13b: {  	v11 =	vor.u32 v28, v2  }
0x13c: {  	[tilespmem:v7+s16+$0x0] =	vst.idx.msk $0xffff, v4;
	v4 =	vor.u32 v29, v2  }
0x13d: {  	[tilespmem:v8+s16+$0x0] =	vst.idx.msk $0xffff, v5;
	v5 =	vor.u32 v30, v2  }
0x13e: {  	[tilespmem:v9+s16+$0x0] =	vst.idx.msk $0xffff, v6;
	v6 =	vor.u32 v43, v2  }
0x13f: {  	[tilespmem:v10+s16+$0x0] =	vst.idx.msk $0xffff, v3  }
0x140: {  	v7 =	vor.u32 v28, v1;
	v3 =	vld.idx.msk [tilespmem:v11+s3+$0x0], $0xffff  }
0x141: {  	v8 =	vor.u32 v29, v1;
	v4 =	vld.idx.msk [tilespmem:v4+s3+$0x0], $0xffff  }
0x142: {  	v9 =	vor.u32 v30, v1;
	v5 =	vld.idx.msk [tilespmem:v5+s3+$0x0], $0xffff  }
0x143: {  	v10 =	vor.u32 v43, v1;
	v6 =	vld.idx.msk [tilespmem:v6+s3+$0x0], $0xffff  }
0x144: {  	v11 =	vor.u32 v32, v2  }
0x145: {  	[tilespmem:v7+s16+$0x0] =	vst.idx.msk $0xffff, v3;
	v3 =	vor.u32 v33, v2  }
0x146: {  	[tilespmem:v8+s16+$0x0] =	vst.idx.msk $0xffff, v4;
	v4 =	vor.u32 v34, v2  }
0x147: {  	[tilespmem:v9+s16+$0x0] =	vst.idx.msk $0xffff, v5;
	v5 =	vor.u32 v35, v2  }
0x148: {  	[tilespmem:v10+s16+$0x0] =	vst.idx.msk $0xffff, v6  }
0x149: {  	v7 =	vor.u32 v32, v1;
	v6 =	vld.idx.msk [tilespmem:v11+s3+$0x0], $0xffff  }
0x14a: {  	v8 =	vor.u32 v33, v1;
	v3 =	vld.idx.msk [tilespmem:v3+s3+$0x0], $0xffff  }
0x14b: {  	v9 =	vor.u32 v34, v1;
	v4 =	vld.idx.msk [tilespmem:v4+s3+$0x0], $0xffff  }
0x14c: {  	v10 =	vor.u32 v35, v1;
	v5 =	vld.idx.msk [tilespmem:v5+s3+$0x0], $0xffff  }
0x14d: {  	v11 =	vor.u32 v36, v2  }
0x14e: {  	[tilespmem:v7+s16+$0x0] =	vst.idx.msk $0xffff, v6;
	v6 =	vor.u32 v39, v2  }
0x14f: {  	[tilespmem:v8+s16+$0x0] =	vst.idx.msk $0xffff, v3;
	v3 =	vor.u32 v42, v2  }
0x150: {  	[tilespmem:v9+s16+$0x0] =	vst.idx.msk $0xffff, v4;
	v4 =	vor.u32 v31, v2  }
0x151: {  	[tilespmem:v10+s16+$0x0] =	vst.idx.msk $0xffff, v5  }
0x152: {  	v7 =	vor.u32 v36, v1;
	v5 =	vld.idx.msk [tilespmem:v11+s3+$0x0], $0xffff  }
0x153: {  	v8 =	vor.u32 v39, v1;
	v6 =	vld.idx.msk [tilespmem:v6+s3+$0x0], $0xffff  }
0x154: {  	v9 =	vor.u32 v42, v1;
	v3 =	vld.idx.msk [tilespmem:v3+s3+$0x0], $0xffff  }
0x155: {  	v10 =	vor.u32 v31, v1;
	v4 =	vld.idx.msk [tilespmem:v4+s3+$0x0], $0xffff  }
0x156: {  	v11 =	vor.u32 v44, v2  }
0x157: {  	[tilespmem:v7+s16+$0x0] =	vst.idx.msk $0xffff, v5;
	v5 =	vor.u32 v45, v2  }
0x158: {  	[tilespmem:v8+s16+$0x0] =	vst.idx.msk $0xffff, v6;
	v6 =	vor.u32 v50, v2  }
0x159: {  	[tilespmem:v9+s16+$0x0] =	vst.idx.msk $0xffff, v3;
	v3 =	vor.u32 v53, v2  }
0x15a: {  	[tilespmem:v10+s16+$0x0] =	vst.idx.msk $0xffff, v4  }
0x15b: {  	v7 =	vor.u32 v44, v1;
	v4 =	vld.idx.msk [tilespmem:v11+s3+$0x0], $0xffff  }
0x15c: {  	v8 =	vor.u32 v45, v1;
	v5 =	vld.idx.msk [tilespmem:v5+s3+$0x0], $0xffff  }
0x15d: {  	v9 =	vor.u32 v50, v1;
	v6 =	vld.idx.msk [tilespmem:v6+s3+$0x0], $0xffff  }
0x15e: {  	v10 =	vor.u32 v53, v1;
	v3 =	vld.idx.msk [tilespmem:v3+s3+$0x0], $0xffff  }
0x15f: {  	v11 =	vor.u32 v54, v2  }
0x160: {  	[tilespmem:v7+s16+$0x0] =	vst.idx.msk $0xffff, v4;
	v4 =	vor.u32 v55, v2  }
0x161: {  	[tilespmem:v8+s16+$0x0] =	vst.idx.msk $0xffff, v5;
	v5 =	vor.u32 v56, v2  }
0x162: {  	[tilespmem:v9+s16+$0x0] =	vst.idx.msk $0xffff, v6;
	v6 =	vor.u32 v57, v2  }
0x163: {  	v0 =	vld [tilespmem:$0x1FFA0];
	[tilespmem:v10+s16+$0x0] =	vst.idx.msk $0xffff, v3  }
0x164: {  	v7 =	vor.u32 v54, v1;
	v3 =	vld.idx.msk [tilespmem:v11+s3+$0x0], $0xffff  }
0x165: {  	v8 =	vor.u32 v55, v1;
	v4 =	vld.idx.msk [tilespmem:v4+s3+$0x0], $0xffff  }
0x166: {  	v9 =	vor.u32 v56, v1;
	v5 =	vld.idx.msk [tilespmem:v5+s3+$0x0], $0xffff  }
0x167: {  	v10 =	vor.u32 v57, v1;
	v6 =	vld.idx.msk [tilespmem:v6+s3+$0x0], $0xffff  }
0x168: {  	v11 =	vor.u32 v58, v2  }
0x169: {  	[tilespmem:v7+s16+$0x0] =	vst.idx.msk $0xffff, v3;
	v3 =	vor.u32 v37, v2  }
0x16a: {  	[tilespmem:v8+s16+$0x0] =	vst.idx.msk $0xffff, v4;
	v4 =	vor.u32 v38, v2  }
0x16b: {  	[tilespmem:v9+s16+$0x0] =	vst.idx.msk $0xffff, v5;
	v5 =	vor.u32 v0, v2  }
0x16c: {  	[tilespmem:v10+s16+$0x0] =	vst.idx.msk $0xffff, v6;
	v10 =	vor.u32 v0, v1;
	v0 =	vld [tilespmem:$0x1FFB0]  }
0x16d: {  	v7 =	vor.u32 v58, v1;
	v6 =	vld.idx.msk [tilespmem:v11+s3+$0x0], $0xffff  }
0x16e: {  	v8 =	vor.u32 v37, v1;
	v3 =	vld.idx.msk [tilespmem:v3+s3+$0x0], $0xffff  }
0x16f: {  	v9 =	vor.u32 v38, v1;
	v4 =	vld.idx.msk [tilespmem:v4+s3+$0x0], $0xffff  }
0x170: {  	v5 =	vld.idx.msk [tilespmem:v5+s3+$0x0], $0xffff  }
0x171: {  	v11 =	vor.u32 v0, v2  }
0x172: {  	[tilespmem:v7+s16+$0x0] =	vst.idx.msk $0xffff, v6;
	v6 =	vor.u32 v59, v2  }
0x173: {  	[tilespmem:v8+s16+$0x0] =	vst.idx.msk $0xffff, v3;
	v3 =	vor.u32 v61, v2  }
0x174: {  	v47 =	vld [tilespmem:$0x1FFE0];
	[tilespmem:v9+s16+$0x0] =	vst.idx.msk $0xffff, v4;
	v4 =	vor.u32 v62, v2  }
0x175: {  	v7 =	vor.u32 v0, v1;
	v0 =	vld [tilespmem:$0x1FFD0];
	[tilespmem:v10+s16+$0x0] =	vst.idx.msk $0xffff, v5  }
0x176: {  	v5 =	vld.idx.msk [tilespmem:v11+s3+$0x0], $0xffff  }
0x177: {  	v8 =	vor.u32 v59, v1;
	v6 =	vld.idx.msk [tilespmem:v6+s3+$0x0], $0xffff  }
0x178: {  	v9 =	vor.u32 v61, v1;
	v3 =	vld.idx.msk [tilespmem:v3+s3+$0x0], $0xffff  }
0x179: {  	v10 =	vor.u32 v62, v1;
	v4 =	vld.idx.msk [tilespmem:v4+s3+$0x0], $0xffff  }
0x17a: {  	v11 =	vor.u32 v63, v2  }
0x17b: {  	[tilespmem:v7+s16+$0x0] =	vst.idx.msk $0xffff, v5;
	v5 =	vor.u32 v60, v2  }
0x17c: {  	v48 =	vld [tilespmem:$0x1FFF0];
	[tilespmem:v8+s16+$0x0] =	vst.idx.msk $0xffff, v6;
	v6 =	vor.u32 v0, v2  }
0x17d: {  	[tilespmem:v9+s16+$0x0] =	vst.idx.msk $0xffff, v3;
	v3 =	vor.u32 v47, v2;
	v9 =	vor.u32 v0, v1;
	v0 =	vld [tilespmem:$0x1FFC0]  }
0x17e: {  	[tilespmem:v10+s16+$0x0] =	vst.idx.msk $0xffff, v4;
	v10 =	vor.u32 v47, v1;
	v47 =	vld [tilespmem:$0x1FDC0]  }
0x17f: {  	v7 =	vor.u32 v63, v1;
	v4 =	vld.idx.msk [tilespmem:v11+s3+$0x0], $0xffff  }
0x180: {  	v8 =	vor.u32 v60, v1;
	v5 =	vld.idx.msk [tilespmem:v5+s3+$0x0], $0xffff  }
0x181: {  	v6 =	vld.idx.msk [tilespmem:v6+s3+$0x0], $0xffff  }
0x182: {  	v3 =	vld.idx.msk [tilespmem:v3+s3+$0x0], $0xffff  }
0x183: {  	v11 =	vor.u32 v48, v2  }
0x184: {  	[tilespmem:v7+s16+$0x0] =	vst.idx.msk $0xffff, v4;
	v4 =	vor.u32 v40, v2  }
0x185: {  	v7 =	vor.u32 v48, v1;
	v48 =	vld [tilespmem:$0x1FE30];
	[tilespmem:v8+s16+$0x0] =	vst.idx.msk $0xffff, v5;
	v5 =	vor.u32 v0, v2  }
0x186: {  	[tilespmem:v9+s16+$0x0] =	vst.idx.msk $0xffff, v6;
	v6 =	vor.u32 v47, v2;
	v9 =	vor.u32 v0, v1;
	v0 =	vld [tilespmem:$0x1FE10]  }
0x187: {  	[tilespmem:v10+s16+$0x0] =	vst.idx.msk $0xffff, v3;
	v10 =	vor.u32 v47, v1;
	v47 =	vld [tilespmem:$0x1FE20]  }
0x188: {  	v3 =	vld.idx.msk [tilespmem:v11+s3+$0x0], $0xffff  }
0x189: {  	v8 =	vor.u32 v40, v1;
	v4 =	vld.idx.msk [tilespmem:v4+s3+$0x0], $0xffff  }
0x18a: {  	v5 =	vld.idx.msk [tilespmem:v5+s3+$0x0], $0xffff  }
0x18b: {  	v6 =	vld.idx.msk [tilespmem:v6+s3+$0x0], $0xffff  }
0x18c: {  	v11 =	vor.u32 v46, v2  }
0x18d: {  	[tilespmem:v7+s16+$0x0] =	vst.idx.msk $0xffff, v3  }
0x18e: {  	v3 =	vor.u32 v0, v2;
	[tilespmem:v8+s16+$0x0] =	vst.idx.msk $0xffff, v4  }
0x18f: {  	v4 =	vor.u32 v47, v2;
	v8 =	vor.u32 v0, v1;
	v0 =	vld [tilespmem:$0x1FE50];
	[tilespmem:v9+s16+$0x0] =	vst.idx.msk $0xffff, v5  }
0x190: {  	v5 =	vor.u32 v48, v2;
	v9 =	vor.u32 v47, v1;
	v47 =	vld [tilespmem:$0x1FEE0];
	[tilespmem:v10+s16+$0x0] =	vst.idx.msk $0xffff, v6  }
0x191: {  	v7 =	vor.u32 v46, v1;
	v6 =	vld.idx.msk [tilespmem:v11+s3+$0x0], $0xffff  }
0x192: {  	v10 =	vor.u32 v48, v1;
	v48 =	vld [tilespmem:$0x1FF00]  }
0x193: {  	v3 =	vld.idx.msk [tilespmem:v3+s3+$0x0], $0xffff  }
0x194: {  	v4 =	vld.idx.msk [tilespmem:v4+s3+$0x0], $0xffff  }
0x195: {  	v5 =	vld.idx.msk [tilespmem:v5+s3+$0x0], $0xffff  }
0x196: {  	[tilespmem:v7+s16+$0x0] =	vst.idx.msk $0xffff, v6;
	v7 =	vld [tilespmem:$0x1FE60];
	_ =	sdelay $0x1  }
0x197: {  	v11 =	vor.u32 v0, v2  }
0x198: {  	v6 =	vor.u32 v47, v2  }
0x199: {  	[tilespmem:v8+s16+$0x0] =	vst.idx.msk $0xffff, v3;
	v3 =	vor.u32 v48, v2  }
0x19a: {  	[tilespmem:v9+s16+$0x0] =	vst.idx.msk $0xffff, v4;
	v4 =	vor.u32 v7, v2  }
0x19b: {  	[tilespmem:v10+s16+$0x0] =	vst.idx.msk $0xffff, v5  }
0x19c: {  	v8 =	vor.u32 v0, v1;
	v5 =	vld.idx.msk [tilespmem:v11+s3+$0x0], $0xffff  }
0x19d: {  	v9 =	vor.u32 v47, v1;
	v6 =	vld.idx.msk [tilespmem:v6+s3+$0x0], $0xffff  }
0x19e: {  	v10 =	vor.u32 v48, v1;
	v3 =	vld.idx.msk [tilespmem:v3+s3+$0x0], $0xffff  }
0x19f: {  	v7 =	vor.u32 v7, v1;
	v4 =	vld.idx.msk [tilespmem:v4+s3+$0x0], $0xffff  }
0x1a0: {  	v11 =	vor.u32 v49, v2  }
0x1a1: {  	[tilespmem:v8+s16+$0x0] =	vst.idx.msk $0xffff, v5;
	v5 =	vor.u32 v51, v2  }
0x1a2: {  	[tilespmem:v9+s16+$0x0] =	vst.idx.msk $0xffff, v6  }
0x1a3: {  	v6 =	vor.u32 v52, v2;
	[tilespmem:v10+s16+$0x0] =	vst.idx.msk $0xffff, v3  }
0x1a4: {  	[tilespmem:v7+s16+$0x0] =	vst.idx.msk $0xffff, v4  }
0x1a5: {  	v3 =	vld.idx.msk [tilespmem:v11+s3+$0x0], $0xffff  }
0x1a6: {  	v2 =	vor.u32 v41, v2;
	v4 =	vld.idx.msk [tilespmem:v5+s3+$0x0], $0xffff;
	v5 =	vor.u32 v49, v1  }
0x1a7: {  	v7 =	vor.u32 v51, v1  }
0x1a8: {  	p0 =	sne.s32 s17, $0x1F0;
	v8 =	vor.u32 v52, v1;
	v6 =	vld.idx.msk [tilespmem:v6+s3+$0x0], $0xffff  }
.Ltmp0:
0x1a9: {  	_ = 	snop;
	(pc) =	sbr.rel @p0 .LBB2_3-.Ltmp0, $4  }
0x1aa: {  	_ = 	snop  }
0x1ab: {  	v2 =	vld.idx.msk [tilespmem:v2+s3+$0x0], $0xffff;
	[tilespmem:v5+s16+$0x0] =	vst.idx.msk $0xffff, v3  }
0x1ac: {  	v9 =	vmov v14;
	[tilespmem:v7+s16+$0x0] =	vst.idx.msk $0xffff, v4  }
0x1ad: {  	s17 =	sadd.s32 $0x10, s17;
	v10 =	vmovc v15;
	v1 =	vor.u32 v41, v1;
	v3 =	vlaneseq.u32;
	v7 =	vmovc v12;
	[tilespmem:v8+s16+$0x0] =	vst.idx.msk $0xffff, v6;
	v8 =	vmov v13  }
0x1ae: {  	s12 =	sadd.s32 $0x1, s12;
	v4 =	vmov v16;
	v5 =	vmov v17;
	v6 =	vmov v18  }
0x1af: {  	v11 =	vmovc v19;
	v12 =	vmovc v20;
	v13 =	vmov v21;
	v16 =	vmov v24;
	v24 =	vmov v32;
	v32 =	vld [tilespmem:$0x1FFC0];
	p0 =	sne.s32 s12, $0x4  }
.Ltmp1:
0x1b0: {  	v14 =	vmovc v22;
	v15 =	vmovc v23;
	v17 =	vmov v25;
	v18 =	vmov v26;
	v25 =	vmov v33;
	v33 =	vld [tilespmem:$0x1FFA0];
	(pc) =	sbr.rel @p0 .LBB2_2-.Ltmp1, $4  }
0x1b1: {  	v19 =	vmovc v27;
	v20 =	vmovc v28;
	v21 =	vmov v29;
	v26 =	vmov v34;
	v34 =	vmov v37;
	v37 =	vld [tilespmem:$0x1FFB0]  }
0x1b2: {  	s14 =	sshll.u32 s14, $0x3;
	v22 =	vmovc v30;
	v23 =	vmovc v43;
	v27 =	vmov v35;
	v28 =	vmov v36;
	v29 =	vmov v39;
	v47 =	vld [tilespmem:$0x1FFD0]  }
0x1b3: {  	s13 =	sadd.s32 $0x1, s13;
	v30 =	vmovc v42;
	v35 =	vmovc v38;
	v36 =	vmov v40;
	v39 =	vmov v46;
	v38 =	vmov v41;
	v48 =	vld [tilespmem:$0x1FFE0];
	s14 =	sadd.s32 s2, s14;
	[tilespmem:v1+s16+$0x0] =	vst.idx.msk $0xffff, v2  }
0x1b4: {  	v40 =	vmovc v59;
	v41 =	vmovc v61;
	v42 =	vmov v62;
	v43 =	vmov v63;
	v46 =	vmov v60;
	v49 =	vld [tilespmem:$0x1FFF0];
	[hbm4b:s14+s3] =	stream.linear.scatter [tilespmem:s16], [sflag:s13], $0x8000, $0x38  }
0x1b5: {  	s11 =	sadd.s32 $0x1, s11  }
0x1b6: {  	_ =	swait.ge [sflag:s9], $0x8000;
	p0 =	sne.s32 s11, s7  }
.Ltmp2:
0x1b7: {  	[sflag:s9] =	ssyncset.done $0x0;
	(pc) =	sbr.rel @p0 .LBB2_1-.Ltmp2, $4  }
0x1b8: {  	[sflag:s9] =	ssyncadd.s32 $0xFFFF8000  }
0x1b9: {  	_ =	swait.ge [sflag:s10], $0x8000  }
0x1ba: {  	[sflag:s10] =	ssyncset.done $0x0  }
0x1bb: {  	[sflag:s10] =	ssyncadd.s32 $0xFFFF8000  }
0x1bc: {  	_ =	sfence.sel $0x180000  }
0x1bd: {  	[bflag:$0x0] =	sbarrier.arrive $0xFFFF  }
0x1be: {  	p0 =	sne.s32 s4, $0x0;
	_ =	strace $0x90000047  }
0x1bf: {  	s0 =	sadd.s32 @!p0 $0x100000, s1;
	[bflag:$0x2] =	sbarrier.arrive $0xFFFF  }
0x1c0: {  	[sflag:s0] =	ssyncadd.tile.s32 @!p0 $0x1;
	_ =	shalt  }
.Lfunc_end2:
_tile_overlayer_lowered:
.L_overlay_start_2:
0x1c1: {  	(tag) =	ssettag $0x2  }
0x1c2: {  	s0 =	rddreg [dreg:$0x0];
	s2 =	stileid.u32  }
0x1c3: {  	s1 =	rddreg [dreg:$0x1];
	p0 =	sne.s32 s2, $0x0  }
0x1c4: {  	s3 =	rddreg [dreg:$0x2];
	[bflag:$0x3] =	sbarrier.arrive $0xFFFF;
	s2 =	simm.s32 @!p0 $0x1C03  }
0x1c5: {  	[timem:s3], [sflag:s2] =	dma.local @!p0 [hbm:s0], s1  }
0x1c6: {  	s0 =	simm.s32 @!p0 $0x3  }
0x1c7: {  	_ =	swait.ge @!p0 [sflag:s0], s1  }
0x1c8: {  	s1 =	ssub.s32 @!p0 $0x0, s1;
	[sflag:s0] =	ssyncset.done @!p0 $0x0  }
0x1c9: {  	[sflag:s0] =	ssyncadd.s32 @!p0 s1  }
0x1ca: {  	[bflag:$0x3] =	sbarrier.arrive $0xFFFF  }
0x1cb: {  	_ =	shalt  }

</sc_bundles>
